<compile_context>
chip_gen: v7x
topology: tpu7x:2x2x1
jax: 0.10.2.dev20260603
libtpu: 0.0.44.dev20260713+nightly
codegen_flags: <defaults>
</compile_context>

<pallas_src>
import functools

import jax
import jax.numpy as jnp
from jax import lax
from jax.experimental import pallas as pl
from jax.experimental.pallas import tpu as pltpu
from jax.experimental.pallas import tpu_sc as plsc

N = 10000
E = 320000
D = 128

K = 128
NW = 32
EPW = 10240
CH = EPW // K
E_PAD = NW * EPW
NROW = 10112
RPT = NROW // 16
BLK = 1000
GRID = N // BLK


def _deg_body(dst_hbm, out_hbm, didx_v, hist_a, hist_b):
    c = lax.axis_index("c")
    s = lax.axis_index("s")
    wid = s * 2 + c

    def zbody(i, carry):
        hist_a[pl.ds(i * 16, 16)] = jnp.zeros((16,), jnp.float32)
        hist_b[pl.ds(i * 16, 16)] = jnp.zeros((16,), jnp.float32)
        return carry

    lax.fori_loop(0, (NROW + 16) // 16, zbody, 0)
    pltpu.sync_copy(dst_hbm.at[pl.ds(wid * EPW, EPW)], didx_v)
    e0 = jnp.where(lax.iota(jnp.int32, 16) == 0, 1.0, 0.0).astype(jnp.float32)
    half = EPW // 2

    def body(i, carry):
        ivec_a = didx_v[pl.ds(i * 16, 16)]
        ivec_b = didx_v[pl.ds(half + i * 16, 16)]
        for lane in range(16):
            ja = ivec_a[lane]
            jb = ivec_b[lane]
            hist_a[pl.ds(ja, 16)] = hist_a[pl.ds(ja, 16)] + e0
            hist_b[pl.ds(jb, 16)] = hist_b[pl.ds(jb, 16)] + e0
        return carry

    lax.fori_loop(0, half // 16, body, 0)

    def mbody(i, carry):
        hist_a[pl.ds(i * 16, 16)] = (hist_a[pl.ds(i * 16, 16)]
                                     + hist_b[pl.ds(i * 16, 16)])
        return carry

    lax.fori_loop(0, NROW // 16, mbody, 0)
    pltpu.sync_copy(hist_a.at[pl.ds(0, NROW)], out_hbm.at[wid])


def _main_body(g_hbm, src_hbm, dst_hbm, zeros_hbm, out_hbm,
               sidx0, sidx1, didx0, didx1, buf0, buf1,
               sis0, sis1, sid0, sid1, sg0, sg1, acc_sh):
    c = lax.axis_index("c")
    s = lax.axis_index("s")
    wid = s * 2 + c
    base = s * RPT
    ebase = wid * EPW
    pltpu.sync_copy(zeros_hbm.at[pl.ds(base, RPT)], acc_sh.at[pl.ds(base, RPT)])
    plsc.subcore_barrier()

    sidx = (sidx0, sidx1)
    didx = (didx0, didx1)
    bufs = (buf0, buf1)
    sis = (sis0, sis1)
    sid = (sid0, sid1)
    sg = (sg0, sg1)

    def fire_idx(j, b):
        pltpu.async_copy(src_hbm.at[pl.ds(ebase + j * K, K)], sidx[b], sis[b])
        pltpu.async_copy(dst_hbm.at[pl.ds(ebase + j * K, K)], didx[b], sid[b])

    def wait_idx(b):
        pltpu.make_async_copy(src_hbm.at[pl.ds(0, K)], sidx[b], sis[b]).wait()
        pltpu.make_async_copy(dst_hbm.at[pl.ds(0, K)], didx[b], sid[b]).wait()

    def fire_gat(b):
        pltpu.async_copy(g_hbm.at[sidx[b]], bufs[b], sg[b])

    def wait_gat(b):
        pltpu.make_async_copy(g_hbm.at[sidx[b]], bufs[b], sg[b]).wait()

    def scat(b):
        pltpu.sync_copy(bufs[b], acc_sh.at[didx[b]], add=True)

    fire_idx(0, 0)
    wait_idx(0)
    fire_idx(1, 1)
    fire_gat(0)

    def body(m, carry):
        for b in range(2):
            wait_idx((b + 1) % 2)
            fire_gat((b + 1) % 2)
            wait_gat(b)
            scat(b)
            fire_idx(2 * m + b + 2, b)
        return carry

    lax.fori_loop(0, (CH - 2) // 2, body, 0)
    wait_idx(1)
    fire_gat(1)
    wait_gat(0)
    scat(0)
    wait_gat(1)
    scat(1)

    plsc.subcore_barrier()
    pltpu.sync_copy(acc_sh.at[pl.ds(base, RPT)], out_hbm.at[c, pl.ds(base, RPT)])


def _tc_g(x_ref, w_ref, hist_ref, g_ref):
    h = jnp.dot(x_ref[...], w_ref[...], preferred_element_type=jnp.float32)
    deg = jnp.sum(hist_ref[...], axis=1) + 1.0
    dis = lax.rsqrt(deg)[:, None]
    g_ref[...] = h * dis


def _tc_comb(p_ref, g_ref, hist_ref, b_ref, t_ref, s_ref, q_ref):
    deg = jnp.sum(hist_ref[...], axis=1) + 1.0
    dis = lax.rsqrt(deg)[:, None]
    t = dis * (p_ref[0] + p_ref[1] + g_ref[...]) + b_ref[...]
    t_ref[...] = t
    s_ref[...] = jnp.sum(t, axis=0).reshape(1, 1, D)
    q_ref[...] = jnp.sum(t * t, axis=0).reshape(1, 1, D)


def _tc_bn(t_ref, s_ref, q_ref, gam_ref, bet_ref, o_ref):
    inv_n = 1.0 / N
    mean = jnp.sum(s_ref[...], axis=0) * inv_n
    var = jnp.sum(q_ref[...], axis=0) * inv_n - mean * mean
    y = (t_ref[...] - mean) * lax.rsqrt(var + 1e-5) * gam_ref[...] + bet_ref[...]
    o_ref[...] = jnp.maximum(y, 0.0)


_mesh = plsc.VectorSubcoreMesh(core_axis_name="c", subcore_axis_name="s")

_deg_kernel = functools.partial(
    pl.kernel,
    out_type=jax.ShapeDtypeStruct((NW, NROW), jnp.float32),
    mesh=_mesh,
    scratch_types=[
        pltpu.VMEM((EPW,), jnp.int32),
        pltpu.VMEM((NROW + 16,), jnp.float32),
        pltpu.VMEM((NROW + 16,), jnp.float32),
    ],
)(_deg_body)

_IDX = pltpu.VMEM((K,), jnp.int32)
_SEM = pltpu.SemaphoreType.DMA

_main_kernel = functools.partial(
    pl.kernel,
    out_type=jax.ShapeDtypeStruct((2, NROW, D), jnp.float32),
    mesh=_mesh,
    scratch_types=[
        _IDX, _IDX, _IDX, _IDX,
        pltpu.VMEM((K, D), jnp.float32),
        pltpu.VMEM((K, D), jnp.float32),
        _SEM, _SEM, _SEM, _SEM, _SEM, _SEM,
        pltpu.VMEM_SHARED((NROW, D), jnp.float32),
    ],
)(_main_body)


def kernel(x, edge_index, W, b, gamma, beta):
    src = jnp.concatenate([edge_index[0], jnp.zeros((E_PAD - E,), jnp.int32)])
    dst = jnp.concatenate([edge_index[1], jnp.full((E_PAD - E,), N, jnp.int32)])

    zeros128 = jnp.zeros((NROW, D), jnp.float32)
    b2 = b.reshape(1, D)
    gamma2 = gamma.reshape(1, D)
    beta2 = beta.reshape(1, D)

    degp = _deg_kernel(dst).T

    g = pl.pallas_call(
        _tc_g,
        grid=(GRID,),
        in_specs=[
            pl.BlockSpec((BLK, D), lambda i: (i, 0)),
            pl.BlockSpec((D, D), lambda i: (0, 0)),
            pl.BlockSpec((BLK, NW), lambda i: (i, 0)),
        ],
        out_specs=pl.BlockSpec((BLK, D), lambda i: (i, 0)),
        out_shape=jax.ShapeDtypeStruct((N, D), jnp.float32),
    )(x, W, degp)

    parts = _main_kernel(g, src, dst, zeros128)

    t, sums, sq = pl.pallas_call(
        _tc_comb,
        grid=(GRID,),
        in_specs=[
            pl.BlockSpec((2, BLK, D), lambda i: (0, i, 0)),
            pl.BlockSpec((BLK, D), lambda i: (i, 0)),
            pl.BlockSpec((BLK, NW), lambda i: (i, 0)),
            pl.BlockSpec((1, D), lambda i: (0, 0)),
        ],
        out_specs=[
            pl.BlockSpec((BLK, D), lambda i: (i, 0)),
            pl.BlockSpec((1, 1, D), lambda i: (i, 0, 0)),
            pl.BlockSpec((1, 1, D), lambda i: (i, 0, 0)),
        ],
        out_shape=[
            jax.ShapeDtypeStruct((N, D), jnp.float32),
            jax.ShapeDtypeStruct((GRID, 1, D), jnp.float32),
            jax.ShapeDtypeStruct((GRID, 1, D), jnp.float32),
        ],
    )(parts, g, degp, b2)

    out = pl.pallas_call(
        _tc_bn,
        grid=(GRID,),
        in_specs=[
            pl.BlockSpec((BLK, D), lambda i: (i, 0)),
            pl.BlockSpec((GRID, 1, D), lambda i: (0, 0, 0)),
            pl.BlockSpec((GRID, 1, D), lambda i: (0, 0, 0)),
            pl.BlockSpec((1, D), lambda i: (0, 0)),
            pl.BlockSpec((1, D), lambda i: (0, 0)),
        ],
        out_specs=pl.BlockSpec((BLK, D), lambda i: (i, 0)),
        out_shape=jax.ShapeDtypeStruct((N, D), jnp.float32),
    )(t, sums, sq, gamma2, beta2)

    return out

# --- scband reference (transcript-rebuilt; emitter-appended) ---
"""Pipeline reference for scband-gnnlayer-5772436045872 (READ-ONLY COPY).

The authoritative reference and input builder live on the scoring server;
editing this copy changes nothing except your own understanding.
"""

import jax, jax.numpy as jnp
import numpy as np
import jax.ops

N = 10000
E = 320000
D_IN = 128
D_OUT = 128

def setup_inputs(seed: int = 0) -> dict:
    key = jax.random.key(seed)
    k1, k2, k3 = jax.random.split(key, 3)
    x = jax.random.normal(k1, (N, D_IN), dtype=jnp.float32)
    edge_index = jax.random.randint(k2, (2, E), 0, N, dtype=jnp.int32)
    W = jax.random.normal(k3, (D_IN, D_OUT), dtype=jnp.float32) * (1.0 / np.sqrt(D_IN))
    b = jnp.zeros((D_OUT,), dtype=jnp.float32)
    gamma = jnp.ones((D_OUT,), dtype=jnp.float32)
    beta = jnp.zeros((D_OUT,), dtype=jnp.float32)
    return {"x": x, "edge_index": edge_index, "W": W, "b": b, "gamma": gamma, "beta": beta}

def reference(x, edge_index, W, b, gamma, beta):
    n = x.shape[0]
    # GCNConv: linear transform
    h = x @ W
    # add self loops
    loop = jnp.arange(n, dtype=edge_index.dtype)
    src = jnp.concatenate([edge_index[0], loop])
    dst = jnp.concatenate([edge_index[1], loop])
    # symmetric normalization deg^{-1/2} A_hat deg^{-1/2}
    ones = jnp.ones_like(dst, dtype=h.dtype)
    deg = jax.ops.segment_sum(ones, dst, num_segments=n)
    deg_inv_sqrt = jnp.where(deg > 0, jax.lax.rsqrt(deg), 0.0)
    norm = deg_inv_sqrt[src] * deg_inv_sqrt[dst]
    # message passing: gather, scale, scatter-add
    msg = h[src] * norm[:, None]
    out = jax.ops.segment_sum(msg, dst, num_segments=n) + b
    # BatchNorm1d (training mode: batch statistics over node dim)
    mean = jnp.mean(out, axis=0)
    var = jnp.var(out, axis=0)
    out = (out - mean) * jax.lax.rsqrt(var + 1e-5) * gamma + beta
    # ReLU (dropout is identity in eval / deterministic reference)
    out = jnp.maximum(out, 0.0)
    return out

if __name__ == "__main__":
    import jax
    _d = setup_inputs()
    print(jax.jit(kernel)(*tuple(_d.values())))

</pallas_src>

<mosaic_0001>
#map = affine_map<(d0, d1) -> (0)>
#map1 = affine_map<(d0, d1) -> (0, 0)>
module attributes {stable_mosaic.version = 14 : i64} {
  func.func @_deg_body(%arg0: i32, %arg1: i32, %arg2: memref<327680xi32, #tpu.memory_space<hbm>>, %arg3: memref<32x10112xf32, #tpu.memory_space<hbm>>, %arg4: memref<10240xi32, #tpu.memory_space<vmem>>, %arg5: memref<10128xf32, #tpu.memory_space<vmem>>, %arg6: memref<10128xf32, #tpu.memory_space<vmem>>) attributes {dimension_semantics = [#tpu.dimension_semantics<core_parallel>, #tpu.dimension_semantics<subcore_parallel>], iteration_bounds = array<i64: 2, 16>, scalar_prefetch = 0 : i64, scratch_operands = 3 : i64, tpu.core_type = #tpu.core_type<sc_vector_subcore>, window_params = [{transform_indices = #map}, {transform_indices = #map1}]} {
    %mul3A = arith.constant 2 : i32
    %mul3A_0 = arith.muli %arg1, %mul3A : i32
    %add3A = arith.addi %mul3A_0, %arg0 : i32
    %scan3A = arith.constant 0 : i32
    %scan3A_1 = arith.constant 0 : i32
    %scan3A_2 = arith.constant 633 : i32
    %scan3A_3 = arith.addi %scan3A_1, %scan3A_2 : i32
    %scan3A_4 = arith.constant 1 : i32
    scf.for %scan3A_24 = %scan3A_1 to %scan3A_3 step %scan3A_4  : i32 {
      %broadcast_in_dim3A_25 = arith.constant 0.000000e+00 : f32
      %broadcast_in_dim3A_26 = vector.broadcast %broadcast_in_dim3A_25 : f32 to vector<16xf32>
      %mul3A_27 = arith.constant 16 : i32
      %mul3A_28 = arith.muli %scan3A_24, %mul3A_27 : i32
      %swap3A = arith.index_cast %mul3A_28 : i32 to index
      %swap3A_29 = tpu.vector_load %arg5[%swap3A] {strides = array<i32>} : memref<10128xf32, #tpu.memory_space<vmem>>, vector<16xf32>,
      %swap3A_30 = vector.shape_cast %swap3A_29 : vector<16xf32> to vector<16xf32>
      %swap3A_31 = vector.shape_cast %broadcast_in_dim3A_26 : vector<16xf32> to vector<16xf32>
      tpu.vector_store %arg5[%swap3A], %swap3A_31 {strides = array<i32>} : memref<10128xf32, #tpu.memory_space<vmem>>, vector<16xf32>,
      %broadcast_in_dim3A_32 = arith.constant 0.000000e+00 : f32
      %broadcast_in_dim3A_33 = vector.broadcast %broadcast_in_dim3A_32 : f32 to vector<16xf32>
      %mul3A_34 = arith.constant 16 : i32
      %mul3A_35 = arith.muli %scan3A_24, %mul3A_34 : i32
      %swap3A_36 = arith.index_cast %mul3A_35 : i32 to index
      %swap3A_37 = tpu.vector_load %arg6[%swap3A_36] {strides = array<i32>} : memref<10128xf32, #tpu.memory_space<vmem>>, vector<16xf32>,
      %swap3A_38 = vector.shape_cast %swap3A_37 : vector<16xf32> to vector<16xf32>
      %swap3A_39 = vector.shape_cast %broadcast_in_dim3A_33 : vector<16xf32> to vector<16xf32>
      tpu.vector_store %arg6[%swap3A_36], %swap3A_39 {strides = array<i32>} : memref<10128xf32, #tpu.memory_space<vmem>>, vector<16xf32>,
    }
    %scan3A_5 = arith.constant 633 : i32
    %mul3A_6 = arith.constant 10240 : i32
    %mul3A_7 = arith.muli %add3A, %mul3A_6 : i32
    "tpu.region"() ({
      %run_scoped3A = tpu.sem_alloc : memref<!tpu.dma_semaphore, #tpu.memory_space<semaphore_mem>>
      %dma_start3A = tpu.memref_slice %arg2[%mul3A_7] : memref<327680xi32, #tpu.memory_space<hbm>> -> memref<10240xi32, #tpu.memory_space<hbm>>
      %dma_start3A_24 = tpu.memref_slice %arg2[%mul3A_7] : memref<327680xi32, #tpu.memory_space<hbm>> -> memref<10240xi32, #tpu.memory_space<hbm>>
      tpu.enqueue_dma source(%dma_start3A_24 : memref<10240xi32, #tpu.memory_space<hbm>>) target(%arg4 : memref<10240xi32, #tpu.memory_space<vmem>>) target_semaphore(%run_scoped3A : memref<!tpu.dma_semaphore, #tpu.memory_space<semaphore_mem>>)
      %dma_wait3A = tpu.memref_slice %arg2[%mul3A_7] : memref<327680xi32, #tpu.memory_space<hbm>> -> memref<10240xi32, #tpu.memory_space<hbm>>
      %dma_wait3A_25 = tpu.memref_slice %arg2[%mul3A_7] : memref<327680xi32, #tpu.memory_space<hbm>> -> memref<10240xi32, #tpu.memory_space<hbm>>
      tpu.wait_dma2 semaphore(%run_scoped3A : memref<!tpu.dma_semaphore, #tpu.memory_space<semaphore_mem>>) src(%dma_wait3A_25 : memref<10240xi32, #tpu.memory_space<hbm>>) dst(%arg4 : memref<10240xi32, #tpu.memory_space<vmem>>)
      tpu.yield
    }) : () -> ()
    %iota3A = tpu.iota {dimensions = array<i32: 0>} : vector<16xi32>
    %eq3A = arith.constant 0 : i32
    %eq3A_8 = vector.broadcast %eq3A : i32 to vector<16xi32>
    %eq3A_9 = arith.cmpi eq, %iota3A, %eq3A_8 : vector<16xi32>
    %jit3A = arith.constant 1.000000e+00 : f32
    %jit3A_10 = arith.constant 0.000000e+00 : f32
    %broadcast_in_dim3A = vector.broadcast %jit3A : f32 to vector<16xf32>
    %broadcast_in_dim3A_11 = vector.broadcast %jit3A_10 : f32 to vector<16xf32>
    %select_n3A = arith.select %eq3A_9, %broadcast_in_dim3A, %broadcast_in_dim3A_11 : vector<16xi1>, vector<16xf32>
    %scan3A_12 = arith.constant 0 : i32
    %scan3A_13 = arith.constant 0 : i32
    %scan3A_14 = arith.constant 320 : i32
    %scan3A_15 = arith.addi %scan3A_13, %scan3A_14 : i32
    %scan3A_16 = arith.constant 1 : i32
    scf.for %scan3A_24 = %scan3A_13 to %scan3A_15 step %scan3A_16  : i32 {
      %mul3A_25 = arith.constant 16 : i32
      %mul3A_26 = arith.muli %scan3A_24, %mul3A_25 : i32
      %get3A = arith.index_cast %mul3A_26 : i32 to index
      %get3A_27 = tpu.vector_load %arg4[%get3A] {strides = array<i32>} : memref<10240xi32, #tpu.memory_space<vmem>>, vector<16xi32>,
      %get3A_28 = vector.shape_cast %get3A_27 : vector<16xi32> to vector<16xi32>
      %mul3A_29 = arith.constant 16 : i32
      %mul3A_30 = arith.muli %scan3A_24, %mul3A_29 : i32
      %add3A_31 = arith.constant 5120 : i32
      %add3A_32 = arith.addi %add3A_31, %mul3A_30 : i32
      %get3A_33 = arith.index_cast %add3A_32 : i32 to index
      %get3A_34 = tpu.vector_load %arg4[%get3A_33] {strides = array<i32>} : memref<10240xi32, #tpu.memory_space<vmem>>, vector<16xi32>,
      %get3A_35 = vector.shape_cast %get3A_34 : vector<16xi32> to vector<16xi32>
      %slice3A = vector.extract_strided_slice %get3A_28 {offsets = [0], sizes = [1], strides = [1]} : vector<16xi32> to vector<1xi32>
      %squeeze3A = vector.extract %slice3A[0] : i32 from vector<1xi32>
      %slice3A_36 = vector.extract_strided_slice %get3A_35 {offsets = [0], sizes = [1], strides = [1]} : vector<16xi32> to vector<1xi32>
      %squeeze3A_37 = vector.extract %slice3A_36[0] : i32 from vector<1xi32>
      %get3A_38 = arith.index_cast %squeeze3A : i32 to index
      %get3A_39 = tpu.vector_load %arg5[%get3A_38] {strides = array<i32>} : memref<10128xf32, #tpu.memory_space<vmem>>, vector<16xf32>,
      %get3A_40 = vector.shape_cast %get3A_39 : vector<16xf32> to vector<16xf32>
      %add3A_41 = arith.addf %get3A_40, %select_n3A : vector<16xf32>
      %swap3A = arith.index_cast %squeeze3A : i32 to index
      %swap3A_42 = tpu.vector_load %arg5[%swap3A] {strides = array<i32>} : memref<10128xf32, #tpu.memory_space<vmem>>, vector<16xf32>,
      %swap3A_43 = vector.shape_cast %swap3A_42 : vector<16xf32> to vector<16xf32>
      %swap3A_44 = vector.shape_cast %add3A_41 : vector<16xf32> to vector<16xf32>
      tpu.vector_store %arg5[%swap3A], %swap3A_44 {strides = array<i32>} : memref<10128xf32, #tpu.memory_space<vmem>>, vector<16xf32>,
      %get3A_45 = arith.index_cast %squeeze3A_37 : i32 to index
      %get3A_46 = tpu.vector_load %arg6[%get3A_45] {strides = array<i32>} : memref<10128xf32, #tpu.memory_space<vmem>>, vector<16xf32>,
      %get3A_47 = vector.shape_cast %get3A_46 : vector<16xf32> to vector<16xf32>
      %add3A_48 = arith.addf %get3A_47, %select_n3A : vector<16xf32>
      %swap3A_49 = arith.index_cast %squeeze3A_37 : i32 to index
      %swap3A_50 = tpu.vector_load %arg6[%swap3A_49] {strides = array<i32>} : memref<10128xf32, #tpu.memory_space<vmem>>, vector<16xf32>,
      %swap3A_51 = vector.shape_cast %swap3A_50 : vector<16xf32> to vector<16xf32>
      %swap3A_52 = vector.shape_cast %add3A_48 : vector<16xf32> to vector<16xf32>
      tpu.vector_store %arg6[%swap3A_49], %swap3A_52 {strides = array<i32>} : memref<10128xf32, #tpu.memory_space<vmem>>, vector<16xf32>,
      %slice3A_53 = vector.extract_strided_slice %get3A_28 {offsets = [1], sizes = [1], strides = [1]} : vector<16xi32> to vector<1xi32>
      %squeeze3A_54 = vector.extract %slice3A_53[0] : i32 from vector<1xi32>
      %slice3A_55 = vector.extract_strided_slice %get3A_35 {offsets = [1], sizes = [1], strides = [1]} : vector<16xi32> to vector<1xi32>
      %squeeze3A_56 = vector.extract %slice3A_55[0] : i32 from vector<1xi32>
      %get3A_57 = arith.index_cast %squeeze3A_54 : i32 to index
      %get3A_58 = tpu.vector_load %arg5[%get3A_57] {strides = array<i32>} : memref<10128xf32, #tpu.memory_space<vmem>>, vector<16xf32>,
      %get3A_59 = vector.shape_cast %get3A_58 : vector<16xf32> to vector<16xf32>
      %add3A_60 = arith.addf %get3A_59, %select_n3A : vector<16xf32>
      %swap3A_61 = arith.index_cast %squeeze3A_54 : i32 to index
      %swap3A_62 = tpu.vector_load %arg5[%swap3A_61] {strides = array<i32>} : memref<10128xf32, #tpu.memory_space<vmem>>, vector<16xf32>,
      %swap3A_63 = vector.shape_cast %swap3A_62 : vector<16xf32> to vector<16xf32>
      %swap3A_64 = vector.shape_cast %add3A_60 : vector<16xf32> to vector<16xf32>
      tpu.vector_store %arg5[%swap3A_61], %swap3A_64 {strides = array<i32>} : memref<10128xf32, #tpu.memory_space<vmem>>, vector<16xf32>,
      %get3A_65 = arith.index_cast %squeeze3A_56 : i32 to index
      %get3A_66 = tpu.vector_load %arg6[%get3A_65] {strides = array<i32>} : memref<10128xf32, #tpu.memory_space<vmem>>, vector<16xf32>,
      %get3A_67 = vector.shape_cast %get3A_66 : vector<16xf32> to vector<16xf32>
      %add3A_68 = arith.addf %get3A_67, %select_n3A : vector<16xf32>
      %swap3A_69 = arith.index_cast %squeeze3A_56 : i32 to index
      %swap3A_70 = tpu.vector_load %arg6[%swap3A_69] {strides = array<i32>} : memref<10128xf32, #tpu.memory_space<vmem>>, vector<16xf32>,
      %swap3A_71 = vector.shape_cast %swap3A_70 : vector<16xf32> to vector<16xf32>
      %swap3A_72 = vector.shape_cast %add3A_68 : vector<16xf32> to vector<16xf32>
      tpu.vector_store %arg6[%swap3A_69], %swap3A_72 {strides = array<i32>} : memref<10128xf32, #tpu.memory_space<vmem>>, vector<16xf32>,
      %slice3A_73 = vector.extract_strided_slice %get3A_28 {offsets = [2], sizes = [1], strides = [1]} : vector<16xi32> to vector<1xi32>
      %squeeze3A_74 = vector.extract %slice3A_73[0] : i32 from vector<1xi32>
      %slice3A_75 = vector.extract_strided_slice %get3A_35 {offsets = [2], sizes = [1], strides = [1]} : vector<16xi32> to vector<1xi32>
      %squeeze3A_76 = vector.extract %slice3A_75[0] : i32 from vector<1xi32>
      %get3A_77 = arith.index_cast %squeeze3A_74 : i32 to index
      %get3A_78 = tpu.vector_load %arg5[%get3A_77] {strides = array<i32>} : memref<10128xf32, #tpu.memory_space<vmem>>, vector<16xf32>,
      %get3A_79 = vector.shape_cast %get3A_78 : vector<16xf32> to vector<16xf32>
      %add3A_80 = arith.addf %get3A_79, %select_n3A : vector<16xf32>
      %swap3A_81 = arith.index_cast %squeeze3A_74 : i32 to index
      %swap3A_82 = tpu.vector_load %arg5[%swap3A_81] {strides = array<i32>} : memref<10128xf32, #tpu.memory_space<vmem>>, vector<16xf32>,
      %swap3A_83 = vector.shape_cast %swap3A_82 : vector<16xf32> to vector<16xf32>
      %swap3A_84 = vector.shape_cast %add3A_80 : vector<16xf32> to vector<16xf32>
      tpu.vector_store %arg5[%swap3A_81], %swap3A_84 {strides = array<i32>} : memref<10128xf32, #tpu.memory_space<vmem>>, vector<16xf32>,
      %get3A_85 = arith.index_cast %squeeze3A_76 : i32 to index
      %get3A_86 = tpu.vector_load %arg6[%get3A_85] {strides = array<i32>} : memref<10128xf32, #tpu.memory_space<vmem>>, vector<16xf32>,
      %get3A_87 = vector.shape_cast %get3A_86 : vector<16xf32> to vector<16xf32>
      %add3A_88 = arith.addf %get3A_87, %select_n3A : vector<16xf32>
      %swap3A_89 = arith.index_cast %squeeze3A_76 : i32 to index
      %swap3A_90 = tpu.vector_load %arg6[%swap3A_89] {strides = array<i32>} : memref<10128xf32, #tpu.memory_space<vmem>>, vector<16xf32>,
      %swap3A_91 = vector.shape_cast %swap3A_90 : vector<16xf32> to vector<16xf32>
      %swap3A_92 = vector.shape_cast %add3A_88 : vector<16xf32> to vector<16xf32>
      tpu.vector_store %arg6[%swap3A_89], %swap3A_92 {strides = array<i32>} : memref<10128xf32, #tpu.memory_space<vmem>>, vector<16xf32>,
      %slice3A_93 = vector.extract_strided_slice %get3A_28 {offsets = [3], sizes = [1], strides = [1]} : vector<16xi32> to vector<1xi32>
      %squeeze3A_94 = vector.extract %slice3A_93[0] : i32 from vector<1xi32>
      %slice3A_95 = vector.extract_strided_slice %get3A_35 {offsets = [3], sizes = [1], strides = [1]} : vector<16xi32> to vector<1xi32>
      %squeeze3A_96 = vector.extract %slice3A_95[0] : i32 from vector<1xi32>
      %get3A_97 = arith.index_cast %squeeze3A_94 : i32 to index
      %get3A_98 = tpu.vector_load %arg5[%get3A_97] {strides = array<i32>} : memref<10128xf32, #tpu.memory_space<vmem>>, vector<16xf32>,
      %get3A_99 = vector.shape_cast %get3A_98 : vector<16xf32> to vector<16xf32>
      %add3A_100 = arith.addf %get3A_99, %select_n3A : vector<16xf32>
      %swap3A_101 = arith.index_cast %squeeze3A_94 : i32 to index
      %swap3A_102 = tpu.vector_load %arg5[%swap3A_101] {strides = array<i32>} : memref<10128xf32, #tpu.memory_space<vmem>>, vector<16xf32>,
      %swap3A_103 = vector.shape_cast %swap3A_102 : vector<16xf32> to vector<16xf32>
      %swap3A_104 = vector.shape_cast %add3A_100 : vector<16xf32> to vector<16xf32>
      tpu.vector_store %arg5[%swap3A_101], %swap3A_104 {strides = array<i32>} : memref<10128xf32, #tpu.memory_space<vmem>>, vector<16xf32>,
      %get3A_105 = arith.index_cast %squeeze3A_96 : i32 to index
      %get3A_106 = tpu.vector_load %arg6[%get3A_105] {strides = array<i32>} : memref<10128xf32, #tpu.memory_space<vmem>>, vector<16xf32>,
      %get3A_107 = vector.shape_cast %get3A_106 : vector<16xf32> to vector<16xf32>
      %add3A_108 = arith.addf %get3A_107, %select_n3A : vector<16xf32>
      %swap3A_109 = arith.index_cast %squeeze3A_96 : i32 to index
      %swap3A_110 = tpu.vector_load %arg6[%swap3A_109] {strides = array<i32>} : memref<10128xf32, #tpu.memory_space<vmem>>, vector<16xf32>,
      %swap3A_111 = vector.shape_cast %swap3A_110 : vector<16xf32> to vector<16xf32>
      %swap3A_112 = vector.shape_cast %add3A_108 : vector<16xf32> to vector<16xf32>
      tpu.vector_store %arg6[%swap3A_109], %swap3A_112 {strides = array<i32>} : memref<10128xf32, #tpu.memory_space<vmem>>, vector<16xf32>,
      %slice3A_113 = vector.extract_strided_slice %get3A_28 {offsets = [4], sizes = [1], strides = [1]} : vector<16xi32> to vector<1xi32>
      %squeeze3A_114 = vector.extract %slice3A_113[0] : i32 from vector<1xi32>
      %slice3A_115 = vector.extract_strided_slice %get3A_35 {offsets = [4], sizes = [1], strides = [1]} : vector<16xi32> to vector<1xi32>
      %squeeze3A_116 = vector.extract %slice3A_115[0] : i32 from vector<1xi32>
      %get3A_117 = arith.index_cast %squeeze3A_114 : i32 to index
      %get3A_118 = tpu.vector_load %arg5[%get3A_117] {strides = array<i32>} : memref<10128xf32, #tpu.memory_space<vmem>>, vector<16xf32>,
      %get3A_119 = vector.shape_cast %get3A_118 : vector<16xf32> to vector<16xf32>
      %add3A_120 = arith.addf %get3A_119, %select_n3A : vector<16xf32>
      %swap3A_121 = arith.index_cast %squeeze3A_114 : i32 to index
      %swap3A_122 = tpu.vector_load %arg5[%swap3A_121] {strides = array<i32>} : memref<10128xf32, #tpu.memory_space<vmem>>, vector<16xf32>,
      %swap3A_123 = vector.shape_cast %swap3A_122 : vector<16xf32> to vector<16xf32>
      %swap3A_124 = vector.shape_cast %add3A_120 : vector<16xf32> to vector<16xf32>
      tpu.vector_store %arg5[%swap3A_121], %swap3A_124 {strides = array<i32>} : memref<10128xf32, #tpu.memory_space<vmem>>, vector<16xf32>,
      %get3A_125 = arith.index_cast %squeeze3A_116 : i32 to index
      %get3A_126 = tpu.vector_load %arg6[%get3A_125] {strides = array<i32>} : memref<10128xf32, #tpu.memory_space<vmem>>, vector<16xf32>,
      %get3A_127 = vector.shape_cast %get3A_126 : vector<16xf32> to vector<16xf32>
      %add3A_128 = arith.addf %get3A_127, %select_n3A : vector<16xf32>
      %swap3A_129 = arith.index_cast %squeeze3A_116 : i32 to index
      %swap3A_130 = tpu.vector_load %arg6[%swap3A_129] {strides = array<i32>} : memref<10128xf32, #tpu.memory_space<vmem>>, vector<16xf32>,
      %swap3A_131 = vector.shape_cast %swap3A_130 : vector<16xf32> to vector<16xf32>
      %swap3A_132 = vector.shape_cast %add3A_128 : vector<16xf32> to vector<16xf32>
      tpu.vector_store %arg6[%swap3A_129], %swap3A_132 {strides = array<i32>} : memref<10128xf32, #tpu.memory_space<vmem>>, vector<16xf32>,
      %slice3A_133 = vector.extract_strided_slice %get3A_28 {offsets = [5], sizes = [1], strides = [1]} : vector<16xi32> to vector<1xi32>
      %squeeze3A_134 = vector.extract %slice3A_133[0] : i32 from vector<1xi32>
      %slice3A_135 = vector.extract_strided_slice %get3A_35 {offsets = [5], sizes = [1], strides = [1]} : vector<16xi32> to vector<1xi32>
      %squeeze3A_136 = vector.extract %slice3A_135[0] : i32 from vector<1xi32>
      %get3A_137 = arith.index_cast %squeeze3A_134 : i32 to index
      %get3A_138 = tpu.vector_load %arg5[%get3A_137] {strides = array<i32>} : memref<10128xf32, #tpu.memory_space<vmem>>, vector<16xf32>,
      %get3A_139 = vector.shape_cast %get3A_138 : vector<16xf32> to vector<16xf32>
      %add3A_140 = arith.addf %get3A_139, %select_n3A : vector<16xf32>
      %swap3A_141 = arith.index_cast %squeeze3A_134 : i32 to index
      %swap3A_142 = tpu.vector_load %arg5[%swap3A_141] {strides = array<i32>} : memref<10128xf32, #tpu.memory_space<vmem>>, vector<16xf32>,
      %swap3A_143 = vector.shape_cast %swap3A_142 : vector<16xf32> to vector<16xf32>
      %swap3A_144 = vector.shape_cast %add3A_140 : vector<16xf32> to vector<16xf32>
      tpu.vector_store %arg5[%swap3A_141], %swap3A_144 {strides = array<i32>} : memref<10128xf32, #tpu.memory_space<vmem>>, vector<16xf32>,
      %get3A_145 = arith.index_cast %squeeze3A_136 : i32 to index
      %get3A_146 = tpu.vector_load %arg6[%get3A_145] {strides = array<i32>} : memref<10128xf32, #tpu.memory_space<vmem>>, vector<16xf32>,
      %get3A_147 = vector.shape_cast %get3A_146 : vector<16xf32> to vector<16xf32>
      %add3A_148 = arith.addf %get3A_147, %select_n3A : vector<16xf32>
      %swap3A_149 = arith.index_cast %squeeze3A_136 : i32 to index
      %swap3A_150 = tpu.vector_load %arg6[%swap3A_149] {strides = array<i32>} : memref<10128xf32, #tpu.memory_space<vmem>>, vector<16xf32>,
      %swap3A_151 = vector.shape_cast %swap3A_150 : vector<16xf32> to vector<16xf32>
      %swap3A_152 = vector.shape_cast %add3A_148 : vector<16xf32> to vector<16xf32>
      tpu.vector_store %arg6[%swap3A_149], %swap3A_152 {strides = array<i32>} : memref<10128xf32, #tpu.memory_space<vmem>>, vector<16xf32>,
      %slice3A_153 = vector.extract_strided_slice %get3A_28 {offsets = [6], sizes = [1], strides = [1]} : vector<16xi32> to vector<1xi32>
      %squeeze3A_154 = vector.extract %slice3A_153[0] : i32 from vector<1xi32>
      %slice3A_155 = vector.extract_strided_slice %get3A_35 {offsets = [6], sizes = [1], strides = [1]} : vector<16xi32> to vector<1xi32>
      %squeeze3A_156 = vector.extract %slice3A_155[0] : i32 from vector<1xi32>
      %get3A_157 = arith.index_cast %squeeze3A_154 : i32 to index
      %get3A_158 = tpu.vector_load %arg5[%get3A_157] {strides = array<i32>} : memref<10128xf32, #tpu.memory_space<vmem>>, vector<16xf32>,
      %get3A_159 = vector.shape_cast %get3A_158 : vector<16xf32> to vector<16xf32>
      %add3A_160 = arith.addf %get3A_159, %select_n3A : vector<16xf32>
      %swap3A_161 = arith.index_cast %squeeze3A_154 : i32 to index
      %swap3A_162 = tpu.vector_load %arg5[%swap3A_161] {strides = array<i32>} : memref<10128xf32, #tpu.memory_space<vmem>>, vector<16xf32>,
      %swap3A_163 = vector.shape_cast %swap3A_162 : vector<16xf32> to vector<16xf32>
      %swap3A_164 = vector.shape_cast %add3A_160 : vector<16xf32> to vector<16xf32>
      tpu.vector_store %arg5[%swap3A_161], %swap3A_164 {strides = array<i32>} : memref<10128xf32, #tpu.memory_space<vmem>>, vector<16xf32>,
      %get3A_165 = arith.index_cast %squeeze3A_156 : i32 to index
      %get3A_166 = tpu.vector_load %arg6[%get3A_165] {strides = array<i32>} : memref<10128xf32, #tpu.memory_space<vmem>>, vector<16xf32>,
      %get3A_167 = vector.shape_cast %get3A_166 : vector<16xf32> to vector<16xf32>
      %add3A_168 = arith.addf %get3A_167, %select_n3A : vector<16xf32>
      %swap3A_169 = arith.index_cast %squeeze3A_156 : i32 to index
      %swap3A_170 = tpu.vector_load %arg6[%swap3A_169] {strides = array<i32>} : memref<10128xf32, #tpu.memory_space<vmem>>, vector<16xf32>,
      %swap3A_171 = vector.shape_cast %swap3A_170 : vector<16xf32> to vector<16xf32>
      %swap3A_172 = vector.shape_cast %add3A_168 : vector<16xf32> to vector<16xf32>
      tpu.vector_store %arg6[%swap3A_169], %swap3A_172 {strides = array<i32>} : memref<10128xf32, #tpu.memory_space<vmem>>, vector<16xf32>,
      %slice3A_173 = vector.extract_strided_slice %get3A_28 {offsets = [7], sizes = [1], strides = [1]} : vector<16xi32> to vector<1xi32>
      %squeeze3A_174 = vector.extract %slice3A_173[0] : i32 from vector<1xi32>
      %slice3A_175 = vector.extract_strided_slice %get3A_35 {offsets = [7], sizes = [1], strides = [1]} : vector<16xi32> to vector<1xi32>
      %squeeze3A_176 = vector.extract %slice3A_175[0] : i32 from vector<1xi32>
      %get3A_177 = arith.index_cast %squeeze3A_174 : i32 to index
      %get3A_178 = tpu.vector_load %arg5[%get3A_177] {strides = array<i32>} : memref<10128xf32, #tpu.memory_space<vmem>>, vector<16xf32>,
      %get3A_179 = vector.shape_cast %get3A_178 : vector<16xf32> to vector<16xf32>
      %add3A_180 = arith.addf %get3A_179, %select_n3A : vector<16xf32>
      %swap3A_181 = arith.index_cast %squeeze3A_174 : i32 to index
      %swap3A_182 = tpu.vector_load %arg5[%swap3A_181] {strides = array<i32>} : memref<10128xf32, #tpu.memory_space<vmem>>, vector<16xf32>,
      %swap3A_183 = vector.shape_cast %swap3A_182 : vector<16xf32> to vector<16xf32>
      %swap3A_184 = vector.shape_cast %add3A_180 : vector<16xf32> to vector<16xf32>
      tpu.vector_store %arg5[%swap3A_181], %swap3A_184 {strides = array<i32>} : memref<10128xf32, #tpu.memory_space<vmem>>, vector<16xf32>,
      %get3A_185 = arith.index_cast %squeeze3A_176 : i32 to index
      %get3A_186 = tpu.vector_load %arg6[%get3A_185] {strides = array<i32>} : memref<10128xf32, #tpu.memory_space<vmem>>, vector<16xf32>,
      %get3A_187 = vector.shape_cast %get3A_186 : vector<16xf32> to vector<16xf32>
      %add3A_188 = arith.addf %get3A_187, %select_n3A : vector<16xf32>
      %swap3A_189 = arith.index_cast %squeeze3A_176 : i32 to index
      %swap3A_190 = tpu.vector_load %arg6[%swap3A_189] {strides = array<i32>} : memref<10128xf32, #tpu.memory_space<vmem>>, vector<16xf32>,
      %swap3A_191 = vector.shape_cast %swap3A_190 : vector<16xf32> to vector<16xf32>
      %swap3A_192 = vector.shape_cast %add3A_188 : vector<16xf32> to vector<16xf32>
      tpu.vector_store %arg6[%swap3A_189], %swap3A_192 {strides = array<i32>} : memref<10128xf32, #tpu.memory_space<vmem>>, vector<16xf32>,
      %slice3A_193 = vector.extract_strided_slice %get3A_28 {offsets = [8], sizes = [1], strides = [1]} : vector<16xi32> to vector<1xi32>
      %squeeze3A_194 = vector.extract %slice3A_193[0] : i32 from vector<1xi32>
      %slice3A_195 = vector.extract_strided_slice %get3A_35 {offsets = [8], sizes = [1], strides = [1]} : vector<16xi32> to vector<1xi32>
      %squeeze3A_196 = vector.extract %slice3A_195[0] : i32 from vector<1xi32>
      %get3A_197 = arith.index_cast %squeeze3A_194 : i32 to index
      %get3A_198 = tpu.vector_load %arg5[%get3A_197] {strides = array<i32>} : memref<10128xf32, #tpu.memory_space<vmem>>, vector<16xf32>,
      %get3A_199 = vector.shape_cast %get3A_198 : vector<16xf32> to vector<16xf32>
      %add3A_200 = arith.addf %get3A_199, %select_n3A : vector<16xf32>
      %swap3A_201 = arith.index_cast %squeeze3A_194 : i32 to index
      %swap3A_202 = tpu.vector_load %arg5[%swap3A_201] {strides = array<i32>} : memref<10128xf32, #tpu.memory_space<vmem>>, vector<16xf32>,
      %swap3A_203 = vector.shape_cast %swap3A_202 : vector<16xf32> to vector<16xf32>
      %swap3A_204 = vector.shape_cast %add3A_200 : vector<16xf32> to vector<16xf32>
      tpu.vector_store %arg5[%swap3A_201], %swap3A_204 {strides = array<i32>} : memref<10128xf32, #tpu.memory_space<vmem>>, vector<16xf32>,
      %get3A_205 = arith.index_cast %squeeze3A_196 : i32 to index
      %get3A_206 = tpu.vector_load %arg6[%get3A_205] {strides = array<i32>} : memref<10128xf32, #tpu.memory_space<vmem>>, vector<16xf32>,
      %get3A_207 = vector.shape_cast %get3A_206 : vector<16xf32> to vector<16xf32>
      %add3A_208 = arith.addf %get3A_207, %select_n3A : vector<16xf32>
      %swap3A_209 = arith.index_cast %squeeze3A_196 : i32 to index
      %swap3A_210 = tpu.vector_load %arg6[%swap3A_209] {strides = array<i32>} : memref<10128xf32, #tpu.memory_space<vmem>>, vector<16xf32>,
      %swap3A_211 = vector.shape_cast %swap3A_210 : vector<16xf32> to vector<16xf32>
      %swap3A_212 = vector.shape_cast %add3A_208 : vector<16xf32> to vector<16xf32>
      tpu.vector_store %arg6[%swap3A_209], %swap3A_212 {strides = array<i32>} : memref<10128xf32, #tpu.memory_space<vmem>>, vector<16xf32>,
      %slice3A_213 = vector.extract_strided_slice %get3A_28 {offsets = [9], sizes = [1], strides = [1]} : vector<16xi32> to vector<1xi32>
      %squeeze3A_214 = vector.extract %slice3A_213[0] : i32 from vector<1xi32>
      %slice3A_215 = vector.extract_strided_slice %get3A_35 {offsets = [9], sizes = [1], strides = [1]} : vector<16xi32> to vector<1xi32>
      %squeeze3A_216 = vector.extract %slice3A_215[0] : i32 from vector<1xi32>
      %get3A_217 = arith.index_cast %squeeze3A_214 : i32 to index
      %get3A_218 = tpu.vector_load %arg5[%get3A_217] {strides = array<i32>} : memref<10128xf32, #tpu.memory_space<vmem>>, vector<16xf32>,
      %get3A_219 = vector.shape_cast %get3A_218 : vector<16xf32> to vector<16xf32>
      %add3A_220 = arith.addf %get3A_219, %select_n3A : vector<16xf32>
      %swap3A_221 = arith.index_cast %squeeze3A_214 : i32 to index
      %swap3A_222 = tpu.vector_load %arg5[%swap3A_221] {strides = array<i32>} : memref<10128xf32, #tpu.memory_space<vmem>>, vector<16xf32>,
      %swap3A_223 = vector.shape_cast %swap3A_222 : vector<16xf32> to vector<16xf32>
      %swap3A_224 = vector.shape_cast %add3A_220 : vector<16xf32> to vector<16xf32>
      tpu.vector_store %arg5[%swap3A_221], %swap3A_224 {strides = array<i32>} : memref<10128xf32, #tpu.memory_space<vmem>>, vector<16xf32>,
      %get3A_225 = arith.index_cast %squeeze3A_216 : i32 to index
      %get3A_226 = tpu.vector_load %arg6[%get3A_225] {strides = array<i32>} : memref<10128xf32, #tpu.memory_space<vmem>>, vector<16xf32>,
      %get3A_227 = vector.shape_cast %get3A_226 : vector<16xf32> to vector<16xf32>
      %add3A_228 = arith.addf %get3A_227, %select_n3A : vector<16xf32>
      %swap3A_229 = arith.index_cast %squeeze3A_216 : i32 to index
      %swap3A_230 = tpu.vector_load %arg6[%swap3A_229] {strides = array<i32>} : memref<10128xf32, #tpu.memory_space<vmem>>, vector<16xf32>,
      %swap3A_231 = vector.shape_cast %swap3A_230 : vector<16xf32> to vector<16xf32>
      %swap3A_232 = vector.shape_cast %add3A_228 : vector<16xf32> to vector<16xf32>
      tpu.vector_store %arg6[%swap3A_229], %swap3A_232 {strides = array<i32>} : memref<10128xf32, #tpu.memory_space<vmem>>, vector<16xf32>,
      %slice3A_233 = vector.extract_strided_slice %get3A_28 {offsets = [10], sizes = [1], strides = [1]} : vector<16xi32> to vector<1xi32>
      %squeeze3A_234 = vector.extract %slice3A_233[0] : i32 from vector<1xi32>
      %slice3A_235 = vector.extract_strided_slice %get3A_35 {offsets = [10], sizes = [1], strides = [1]} : vector<16xi32> to vector<1xi32>
      %squeeze3A_236 = vector.extract %slice3A_235[0] : i32 from vector<1xi32>
      %get3A_237 = arith.index_cast %squeeze3A_234 : i32 to index
      %get3A_238 = tpu.vector_load %arg5[%get3A_237] {strides = array<i32>} : memref<10128xf32, #tpu.memory_space<vmem>>, vector<16xf32>,
      %get3A_239 = vector.shape_cast %get3A_238 : vector<16xf32> to vector<16xf32>
      %add3A_240 = arith.addf %get3A_239, %select_n3A : vector<16xf32>
      %swap3A_241 = arith.index_cast %squeeze3A_234 : i32 to index
      %swap3A_242 = tpu.vector_load %arg5[%swap3A_241] {strides = array<i32>} : memref<10128xf32, #tpu.memory_space<vmem>>, vector<16xf32>,
      %swap3A_243 = vector.shape_cast %swap3A_242 : vector<16xf32> to vector<16xf32>
      %swap3A_244 = vector.shape_cast %add3A_240 : vector<16xf32> to vector<16xf32>
      tpu.vector_store %arg5[%swap3A_241], %swap3A_244 {strides = array<i32>} : memref<10128xf32, #tpu.memory_space<vmem>>, vector<16xf32>,
      %get3A_245 = arith.index_cast %squeeze3A_236 : i32 to index
      %get3A_246 = tpu.vector_load %arg6[%get3A_245] {strides = array<i32>} : memref<10128xf32, #tpu.memory_space<vmem>>, vector<16xf32>,
      %get3A_247 = vector.shape_cast %get3A_246 : vector<16xf32> to vector<16xf32>
      %add3A_248 = arith.addf %get3A_247, %select_n3A : vector<16xf32>
      %swap3A_249 = arith.index_cast %squeeze3A_236 : i32 to index
      %swap3A_250 = tpu.vector_load %arg6[%swap3A_249] {strides = array<i32>} : memref<10128xf32, #tpu.memory_space<vmem>>, vector<16xf32>,
      %swap3A_251 = vector.shape_cast %swap3A_250 : vector<16xf32> to vector<16xf32>
      %swap3A_252 = vector.shape_cast %add3A_248 : vector<16xf32> to vector<16xf32>
      tpu.vector_store %arg6[%swap3A_249], %swap3A_252 {strides = array<i32>} : memref<10128xf32, #tpu.memory_space<vmem>>, vector<16xf32>,
      %slice3A_253 = vector.extract_strided_slice %get3A_28 {offsets = [11], sizes = [1], strides = [1]} : vector<16xi32> to vector<1xi32>
      %squeeze3A_254 = vector.extract %slice3A_253[0] : i32 from vector<1xi32>
      %slice3A_255 = vector.extract_strided_slice %get3A_35 {offsets = [11], sizes = [1], strides = [1]} : vector<16xi32> to vector<1xi32>
      %squeeze3A_256 = vector.extract %slice3A_255[0] : i32 from vector<1xi32>
      %get3A_257 = arith.index_cast %squeeze3A_254 : i32 to index
      %get3A_258 = tpu.vector_load %arg5[%get3A_257] {strides = array<i32>} : memref<10128xf32, #tpu.memory_space<vmem>>, vector<16xf32>,
      %get3A_259 = vector.shape_cast %get3A_258 : vector<16xf32> to vector<16xf32>
      %add3A_260 = arith.addf %get3A_259, %select_n3A : vector<16xf32>
      %swap3A_261 = arith.index_cast %squeeze3A_254 : i32 to index
      %swap3A_262 = tpu.vector_load %arg5[%swap3A_261] {strides = array<i32>} : memref<10128xf32, #tpu.memory_space<vmem>>, vector<16xf32>,
      %swap3A_263 = vector.shape_cast %swap3A_262 : vector<16xf32> to vector<16xf32>
      %swap3A_264 = vector.shape_cast %add3A_260 : vector<16xf32> to vector<16xf32>
      tpu.vector_store %arg5[%swap3A_261], %swap3A_264 {strides = array<i32>} : memref<10128xf32, #tpu.memory_space<vmem>>, vector<16xf32>,
      %get3A_265 = arith.index_cast %squeeze3A_256 : i32 to index
      %get3A_266 = tpu.vector_load %arg6[%get3A_265] {strides = array<i32>} : memref<10128xf32, #tpu.memory_space<vmem>>, vector<16xf32>,
      %get3A_267 = vector.shape_cast %get3A_266 : vector<16xf32> to vector<16xf32>
      %add3A_268 = arith.addf %get3A_267, %select_n3A : vector<16xf32>
      %swap3A_269 = arith.index_cast %squeeze3A_256 : i32 to index
      %swap3A_270 = tpu.vector_load %arg6[%swap3A_269] {strides = array<i32>} : memref<10128xf32, #tpu.memory_space<vmem>>, vector<16xf32>,
      %swap3A_271 = vector.shape_cast %swap3A_270 : vector<16xf32> to vector<16xf32>
      %swap3A_272 = vector.shape_cast %add3A_268 : vector<16xf32> to vector<16xf32>
      tpu.vector_store %arg6[%swap3A_269], %swap3A_272 {strides = array<i32>} : memref<10128xf32, #tpu.memory_space<vmem>>, vector<16xf32>,
      %slice3A_273 = vector.extract_strided_slice %get3A_28 {offsets = [12], sizes = [1], strides = [1]} : vector<16xi32> to vector<1xi32>
      %squeeze3A_274 = vector.extract %slice3A_273[0] : i32 from vector<1xi32>
      %slice3A_275 = vector.extract_strided_slice %get3A_35 {offsets = [12], sizes = [1], strides = [1]} : vector<16xi32> to vector<1xi32>
      %squeeze3A_276 = vector.extract %slice3A_275[0] : i32 from vector<1xi32>
      %get3A_277 = arith.index_cast %squeeze3A_274 : i32 to index
      %get3A_278 = tpu.vector_load %arg5[%get3A_277] {strides = array<i32>} : memref<10128xf32, #tpu.memory_space<vmem>>, vector<16xf32>,
      %get3A_279 = vector.shape_cast %get3A_278 : vector<16xf32> to vector<16xf32>
      %add3A_280 = arith.addf %get3A_279, %select_n3A : vector<16xf32>
      %swap3A_281 = arith.index_cast %squeeze3A_274 : i32 to index
      %swap3A_282 = tpu.vector_load %arg5[%swap3A_281] {strides = array<i32>} : memref<10128xf32, #tpu.memory_space<vmem>>, vector<16xf32>,
      %swap3A_283 = vector.shape_cast %swap3A_282 : vector<16xf32> to vector<16xf32>
      %swap3A_284 = vector.shape_cast %add3A_280 : vector<16xf32> to vector<16xf32>
      tpu.vector_store %arg5[%swap3A_281], %swap3A_284 {strides = array<i32>} : memref<10128xf32, #tpu.memory_space<vmem>>, vector<16xf32>,
      %get3A_285 = arith.index_cast %squeeze3A_276 : i32 to index
      %get3A_286 = tpu.vector_load %arg6[%get3A_285] {strides = array<i32>} : memref<10128xf32, #tpu.memory_space<vmem>>, vector<16xf32>,
      %get3A_287 = vector.shape_cast %get3A_286 : vector<16xf32> to vector<16xf32>
      %add3A_288 = arith.addf %get3A_287, %select_n3A : vector<16xf32>
      %swap3A_289 = arith.index_cast %squeeze3A_276 : i32 to index
      %swap3A_290 = tpu.vector_load %arg6[%swap3A_289] {strides = array<i32>} : memref<10128xf32, #tpu.memory_space<vmem>>, vector<16xf32>,
      %swap3A_291 = vector.shape_cast %swap3A_290 : vector<16xf32> to vector<16xf32>
      %swap3A_292 = vector.shape_cast %add3A_288 : vector<16xf32> to vector<16xf32>
      tpu.vector_store %arg6[%swap3A_289], %swap3A_292 {strides = array<i32>} : memref<10128xf32, #tpu.memory_space<vmem>>, vector<16xf32>,
      %slice3A_293 = vector.extract_strided_slice %get3A_28 {offsets = [13], sizes = [1], strides = [1]} : vector<16xi32> to vector<1xi32>
      %squeeze3A_294 = vector.extract %slice3A_293[0] : i32 from vector<1xi32>
      %slice3A_295 = vector.extract_strided_slice %get3A_35 {offsets = [13], sizes = [1], strides = [1]} : vector<16xi32> to vector<1xi32>
      %squeeze3A_296 = vector.extract %slice3A_295[0] : i32 from vector<1xi32>
      %get3A_297 = arith.index_cast %squeeze3A_294 : i32 to index
      %get3A_298 = tpu.vector_load %arg5[%get3A_297] {strides = array<i32>} : memref<10128xf32, #tpu.memory_space<vmem>>, vector<16xf32>,
      %get3A_299 = vector.shape_cast %get3A_298 : vector<16xf32> to vector<16xf32>
      %add3A_300 = arith.addf %get3A_299, %select_n3A : vector<16xf32>
      %swap3A_301 = arith.index_cast %squeeze3A_294 : i32 to index
      %swap3A_302 = tpu.vector_load %arg5[%swap3A_301] {strides = array<i32>} : memref<10128xf32, #tpu.memory_space<vmem>>, vector<16xf32>,
      %swap3A_303 = vector.shape_cast %swap3A_302 : vector<16xf32> to vector<16xf32>
      %swap3A_304 = vector.shape_cast %add3A_300 : vector<16xf32> to vector<16xf32>
      tpu.vector_store %arg5[%swap3A_301], %swap3A_304 {strides = array<i32>} : memref<10128xf32, #tpu.memory_space<vmem>>, vector<16xf32>,
      %get3A_305 = arith.index_cast %squeeze3A_296 : i32 to index
      %get3A_306 = tpu.vector_load %arg6[%get3A_305] {strides = array<i32>} : memref<10128xf32, #tpu.memory_space<vmem>>, vector<16xf32>,
      %get3A_307 = vector.shape_cast %get3A_306 : vector<16xf32> to vector<16xf32>
      %add3A_308 = arith.addf %get3A_307, %select_n3A : vector<16xf32>
      %swap3A_309 = arith.index_cast %squeeze3A_296 : i32 to index
      %swap3A_310 = tpu.vector_load %arg6[%swap3A_309] {strides = array<i32>} : memref<10128xf32, #tpu.memory_space<vmem>>, vector<16xf32>,
      %swap3A_311 = vector.shape_cast %swap3A_310 : vector<16xf32> to vector<16xf32>
      %swap3A_312 = vector.shape_cast %add3A_308 : vector<16xf32> to vector<16xf32>
      tpu.vector_store %arg6[%swap3A_309], %swap3A_312 {strides = array<i32>} : memref<10128xf32, #tpu.memory_space<vmem>>, vector<16xf32>,
      %slice3A_313 = vector.extract_strided_slice %get3A_28 {offsets = [14], sizes = [1], strides = [1]} : vector<16xi32> to vector<1xi32>
      %squeeze3A_314 = vector.extract %slice3A_313[0] : i32 from vector<1xi32>
      %slice3A_315 = vector.extract_strided_slice %get3A_35 {offsets = [14], sizes = [1], strides = [1]} : vector<16xi32> to vector<1xi32>
      %squeeze3A_316 = vector.extract %slice3A_315[0] : i32 from vector<1xi32>
      %get3A_317 = arith.index_cast %squeeze3A_314 : i32 to index
      %get3A_318 = tpu.vector_load %arg5[%get3A_317] {strides = array<i32>} : memref<10128xf32, #tpu.memory_space<vmem>>, vector<16xf32>,
      %get3A_319 = vector.shape_cast %get3A_318 : vector<16xf32> to vector<16xf32>
      %add3A_320 = arith.addf %get3A_319, %select_n3A : vector<16xf32>
      %swap3A_321 = arith.index_cast %squeeze3A_314 : i32 to index
      %swap3A_322 = tpu.vector_load %arg5[%swap3A_321] {strides = array<i32>} : memref<10128xf32, #tpu.memory_space<vmem>>, vector<16xf32>,
      %swap3A_323 = vector.shape_cast %swap3A_322 : vector<16xf32> to vector<16xf32>
      %swap3A_324 = vector.shape_cast %add3A_320 : vector<16xf32> to vector<16xf32>
      tpu.vector_store %arg5[%swap3A_321], %swap3A_324 {strides = array<i32>} : memref<10128xf32, #tpu.memory_space<vmem>>, vector<16xf32>,
      %get3A_325 = arith.index_cast %squeeze3A_316 : i32 to index
      %get3A_326 = tpu.vector_load %arg6[%get3A_325] {strides = array<i32>} : memref<10128xf32, #tpu.memory_space<vmem>>, vector<16xf32>,
      %get3A_327 = vector.shape_cast %get3A_326 : vector<16xf32> to vector<16xf32>
      %add3A_328 = arith.addf %get3A_327, %select_n3A : vector<16xf32>
      %swap3A_329 = arith.index_cast %squeeze3A_316 : i32 to index
      %swap3A_330 = tpu.vector_load %arg6[%swap3A_329] {strides = array<i32>} : memref<10128xf32, #tpu.memory_space<vmem>>, vector<16xf32>,
      %swap3A_331 = vector.shape_cast %swap3A_330 : vector<16xf32> to vector<16xf32>
      %swap3A_332 = vector.shape_cast %add3A_328 : vector<16xf32> to vector<16xf32>
      tpu.vector_store %arg6[%swap3A_329], %swap3A_332 {strides = array<i32>} : memref<10128xf32, #tpu.memory_space<vmem>>, vector<16xf32>,
      %slice3A_333 = vector.extract_strided_slice %get3A_28 {offsets = [15], sizes = [1], strides = [1]} : vector<16xi32> to vector<1xi32>
      %squeeze3A_334 = vector.extract %slice3A_333[0] : i32 from vector<1xi32>
      %slice3A_335 = vector.extract_strided_slice %get3A_35 {offsets = [15], sizes = [1], strides = [1]} : vector<16xi32> to vector<1xi32>
      %squeeze3A_336 = vector.extract %slice3A_335[0] : i32 from vector<1xi32>
      %get3A_337 = arith.index_cast %squeeze3A_334 : i32 to index
      %get3A_338 = tpu.vector_load %arg5[%get3A_337] {strides = array<i32>} : memref<10128xf32, #tpu.memory_space<vmem>>, vector<16xf32>,
      %get3A_339 = vector.shape_cast %get3A_338 : vector<16xf32> to vector<16xf32>
      %add3A_340 = arith.addf %get3A_339, %select_n3A : vector<16xf32>
      %swap3A_341 = arith.index_cast %squeeze3A_334 : i32 to index
      %swap3A_342 = tpu.vector_load %arg5[%swap3A_341] {strides = array<i32>} : memref<10128xf32, #tpu.memory_space<vmem>>, vector<16xf32>,
      %swap3A_343 = vector.shape_cast %swap3A_342 : vector<16xf32> to vector<16xf32>
      %swap3A_344 = vector.shape_cast %add3A_340 : vector<16xf32> to vector<16xf32>
      tpu.vector_store %arg5[%swap3A_341], %swap3A_344 {strides = array<i32>} : memref<10128xf32, #tpu.memory_space<vmem>>, vector<16xf32>,
      %get3A_345 = arith.index_cast %squeeze3A_336 : i32 to index
      %get3A_346 = tpu.vector_load %arg6[%get3A_345] {strides = array<i32>} : memref<10128xf32, #tpu.memory_space<vmem>>, vector<16xf32>,
      %get3A_347 = vector.shape_cast %get3A_346 : vector<16xf32> to vector<16xf32>
      %add3A_348 = arith.addf %get3A_347, %select_n3A : vector<16xf32>
      %swap3A_349 = arith.index_cast %squeeze3A_336 : i32 to index
      %swap3A_350 = tpu.vector_load %arg6[%swap3A_349] {strides = array<i32>} : memref<10128xf32, #tpu.memory_space<vmem>>, vector<16xf32>,
      %swap3A_351 = vector.shape_cast %swap3A_350 : vector<16xf32> to vector<16xf32>
      %swap3A_352 = vector.shape_cast %add3A_348 : vector<16xf32> to vector<16xf32>
      tpu.vector_store %arg6[%swap3A_349], %swap3A_352 {strides = array<i32>} : memref<10128xf32, #tpu.memory_space<vmem>>, vector<16xf32>,
    }
    %scan3A_17 = arith.constant 320 : i32
    %scan3A_18 = arith.constant 0 : i32
    %scan3A_19 = arith.constant 0 : i32
    %scan3A_20 = arith.constant 632 : i32
    %scan3A_21 = arith.addi %scan3A_19, %scan3A_20 : i32
    %scan3A_22 = arith.constant 1 : i32
    scf.for %scan3A_24 = %scan3A_19 to %scan3A_21 step %scan3A_22  : i32 {
      %mul3A_25 = arith.constant 16 : i32
      %mul3A_26 = arith.muli %scan3A_24, %mul3A_25 : i32
      %get3A = arith.index_cast %mul3A_26 : i32 to index
      %get3A_27 = tpu.vector_load %arg5[%get3A] {strides = array<i32>} : memref<10128xf32, #tpu.memory_space<vmem>>, vector<16xf32>,
      %get3A_28 = vector.shape_cast %get3A_27 : vector<16xf32> to vector<16xf32>
      %mul3A_29 = arith.constant 16 : i32
      %mul3A_30 = arith.muli %scan3A_24, %mul3A_29 : i32
      %get3A_31 = arith.index_cast %mul3A_30 : i32 to index
      %get3A_32 = tpu.vector_load %arg6[%get3A_31] {strides = array<i32>} : memref<10128xf32, #tpu.memory_space<vmem>>, vector<16xf32>,
      %get3A_33 = vector.shape_cast %get3A_32 : vector<16xf32> to vector<16xf32>
      %add3A_34 = arith.addf %get3A_28, %get3A_33 : vector<16xf32>
      %mul3A_35 = arith.constant 16 : i32
      %mul3A_36 = arith.muli %scan3A_24, %mul3A_35 : i32
      %swap3A = arith.index_cast %mul3A_36 : i32 to index
      %swap3A_37 = tpu.vector_load %arg5[%swap3A] {strides = array<i32>} : memref<10128xf32, #tpu.memory_space<vmem>>, vector<16xf32>,
      %swap3A_38 = vector.shape_cast %swap3A_37 : vector<16xf32> to vector<16xf32>
      %swap3A_39 = vector.shape_cast %add3A_34 : vector<16xf32> to vector<16xf32>
      tpu.vector_store %arg5[%swap3A], %swap3A_39 {strides = array<i32>} : memref<10128xf32, #tpu.memory_space<vmem>>, vector<16xf32>,
    }
    %scan3A_23 = arith.constant 632 : i32
    "tpu.region"() ({
      %run_scoped3A = tpu.sem_alloc : memref<!tpu.dma_semaphore, #tpu.memory_space<semaphore_mem>>
      %dma_start3A = arith.constant 0 : i32
      %dma_start3A_24 = tpu.memref_slice %arg5[%dma_start3A] : memref<10128xf32, #tpu.memory_space<vmem>> -> memref<10112xf32, #tpu.memory_space<vmem>>
      %dma_start3A_25 = arith.constant 0 : i32
      %dma_start3A_26 = tpu.memref_slice %arg3[%add3A, %dma_start3A_25] : memref<32x10112xf32, #tpu.memory_space<hbm>> -> memref<1x10112xf32, #tpu.memory_space<hbm>>
      %dma_start3A_27 = tpu.memref_squeeze %dma_start3A_26 : memref<1x10112xf32, #tpu.memory_space<hbm>> -> memref<10112xf32, #tpu.memory_space<hbm>>
      %dma_start3A_28 = arith.constant 0 : i32
      %dma_start3A_29 = tpu.memref_slice %arg3[%add3A, %dma_start3A_28] : memref<32x10112xf32, #tpu.memory_space<hbm>> -> memref<1x10112xf32, #tpu.memory_space<hbm>>
      %dma_start3A_30 = tpu.memref_squeeze %dma_start3A_29 : memref<1x10112xf32, #tpu.memory_space<hbm>> -> memref<10112xf32, #tpu.memory_space<hbm>>
      %dma_start3A_31 = arith.constant 0 : i32
      %dma_start3A_32 = tpu.memref_slice %arg5[%dma_start3A_31] : memref<10128xf32, #tpu.memory_space<vmem>> -> memref<10112xf32, #tpu.memory_space<vmem>>
      tpu.enqueue_dma source(%dma_start3A_32 : memref<10112xf32, #tpu.memory_space<vmem>>) target(%dma_start3A_30 : memref<10112xf32, #tpu.memory_space<hbm>>) target_semaphore(%run_scoped3A : memref<!tpu.dma_semaphore, #tpu.memory_space<semaphore_mem>>)
      %dma_wait3A = arith.constant 0 : i32
      %dma_wait3A_33 = tpu.memref_slice %arg5[%dma_wait3A] : memref<10128xf32, #tpu.memory_space<vmem>> -> memref<10112xf32, #tpu.memory_space<vmem>>
      %dma_wait3A_34 = arith.constant 0 : i32
      %dma_wait3A_35 = tpu.memref_slice %arg3[%add3A, %dma_wait3A_34] : memref<32x10112xf32, #tpu.memory_space<hbm>> -> memref<1x10112xf32, #tpu.memory_space<hbm>>
      %dma_wait3A_36 = tpu.memref_squeeze %dma_wait3A_35 : memref<1x10112xf32, #tpu.memory_space<hbm>> -> memref<10112xf32, #tpu.memory_space<hbm>>
      %dma_wait3A_37 = arith.constant 0 : i32
      %dma_wait3A_38 = tpu.memref_slice %arg3[%add3A, %dma_wait3A_37] : memref<32x10112xf32, #tpu.memory_space<hbm>> -> memref<1x10112xf32, #tpu.memory_space<hbm>>
      %dma_wait3A_39 = tpu.memref_squeeze %dma_wait3A_38 : memref<1x10112xf32, #tpu.memory_space<hbm>> -> memref<10112xf32, #tpu.memory_space<hbm>>
      %dma_wait3A_40 = arith.constant 0 : i32
      %dma_wait3A_41 = tpu.memref_slice %arg5[%dma_wait3A_40] : memref<10128xf32, #tpu.memory_space<vmem>> -> memref<10112xf32, #tpu.memory_space<vmem>>
      tpu.wait_dma2 semaphore(%run_scoped3A : memref<!tpu.dma_semaphore, #tpu.memory_space<semaphore_mem>>) src(%dma_wait3A_41 : memref<10112xf32, #tpu.memory_space<vmem>>) dst(%dma_wait3A_39 : memref<10112xf32, #tpu.memory_space<hbm>>)
      tpu.yield
    }) : () -> ()
    return
  }
}

#map = affine_map<(d0, d1) -> (0, 0)>
#map1 = affine_map<(d0, d1) -> (0)>
#map2 = affine_map<(d0, d1) -> (0, 0, 0)>
module attributes {stable_mosaic.version = 14 : i64} {
  func.func @_main_body(%arg0: i32, %arg1: i32, %arg2: memref<10000x128xf32, #tpu.memory_space<hbm>>, %arg3: memref<327680xi32, #tpu.memory_space<hbm>>, %arg4: memref<327680xi32, #tpu.memory_space<hbm>>, %arg5: memref<10112x128xf32, #tpu.memory_space<hbm>>, %arg6: memref<2x10112x128xf32, #tpu.memory_space<hbm>>, %arg7: memref<128xi32, #tpu.memory_space<vmem>>, %arg8: memref<128xi32, #tpu.memory_space<vmem>>, %arg9: memref<128xi32, #tpu.memory_space<vmem>>, %arg10: memref<128xi32, #tpu.memory_space<vmem>>, %arg11: memref<128x128xf32, #tpu.memory_space<vmem>>, %arg12: memref<128x128xf32, #tpu.memory_space<vmem>>, %arg13: memref<!tpu.dma_semaphore, #tpu.memory_space<semaphore_mem>>, %arg14: memref<!tpu.dma_semaphore, #tpu.memory_space<semaphore_mem>>, %arg15: memref<!tpu.dma_semaphore, #tpu.memory_space<semaphore_mem>>, %arg16: memref<!tpu.dma_semaphore, #tpu.memory_space<semaphore_mem>>, %arg17: memref<!tpu.dma_semaphore, #tpu.memory_space<semaphore_mem>>, %arg18: memref<!tpu.dma_semaphore, #tpu.memory_space<semaphore_mem>>, %arg19: memref<10112x128xf32, #tpu.memory_space<vmem_shared>>) attributes {dimension_semantics = [#tpu.dimension_semantics<core_parallel>, #tpu.dimension_semantics<subcore_parallel>], iteration_bounds = array<i64: 2, 16>, scalar_prefetch = 0 : i64, scratch_operands = 13 : i64, tpu.core_type = #tpu.core_type<sc_vector_subcore>, window_params = [{transform_indices = #map}, {transform_indices = #map1}, {transform_indices = #map1}, {transform_indices = #map}, {transform_indices = #map2}]} {
    %mul3A = arith.constant 2 : i32
    %mul3A_0 = arith.muli %arg1, %mul3A : i32
    %add3A = arith.addi %mul3A_0, %arg0 : i32
    %mul3A_1 = arith.constant 632 : i32
    %mul3A_2 = arith.muli %arg1, %mul3A_1 : i32
    %mul3A_3 = arith.constant 10240 : i32
    %mul3A_4 = arith.muli %add3A, %mul3A_3 : i32
    "tpu.region"() ({
      %run_scoped3A = tpu.sem_alloc : memref<!tpu.dma_semaphore, #tpu.memory_space<semaphore_mem>>
      %dma_start3A_53 = arith.constant 0 : i32
      %dma_start3A_54 = tpu.memref_slice %arg19[%mul3A_2, %dma_start3A_53] : memref<10112x128xf32, #tpu.memory_space<vmem_shared>> -> memref<632x128xf32, #tpu.memory_space<vmem_shared>>
      %dma_start3A_55 = arith.constant 0 : i32
      %dma_start3A_56 = tpu.memref_slice %arg5[%mul3A_2, %dma_start3A_55] : memref<10112x128xf32, #tpu.memory_space<hbm>> -> memref<632x128xf32, #tpu.memory_space<hbm>>
      tpu.enqueue_dma source(%dma_start3A_56 : memref<632x128xf32, #tpu.memory_space<hbm>>) target(%dma_start3A_54 : memref<632x128xf32, #tpu.memory_space<vmem_shared>>) target_semaphore(%run_scoped3A : memref<!tpu.dma_semaphore, #tpu.memory_space<semaphore_mem>>)
      %dma_wait3A_57 = arith.constant 0 : i32
      %dma_wait3A_58 = tpu.memref_slice %arg19[%mul3A_2, %dma_wait3A_57] : memref<10112x128xf32, #tpu.memory_space<vmem_shared>> -> memref<632x128xf32, #tpu.memory_space<vmem_shared>>
      %dma_wait3A_59 = arith.constant 0 : i32
      %dma_wait3A_60 = tpu.memref_slice %arg5[%mul3A_2, %dma_wait3A_59] : memref<10112x128xf32, #tpu.memory_space<hbm>> -> memref<632x128xf32, #tpu.memory_space<hbm>>
      tpu.wait_dma2 semaphore(%run_scoped3A : memref<!tpu.dma_semaphore, #tpu.memory_space<semaphore_mem>>) src(%dma_wait3A_60 : memref<632x128xf32, #tpu.memory_space<hbm>>) dst(%dma_wait3A_58 : memref<632x128xf32, #tpu.memory_space<vmem_shared>>)
      tpu.yield
    }) : () -> ()
    %barrier3A = arith.constant 0 : index
    tpu.barrier barrier_id(%barrier3A)
    %add3A_5 = arith.constant 0 : i32
    %add3A_6 = arith.addi %mul3A_4, %add3A_5 : i32
    %dma_start3A = tpu.memref_slice %arg3[%add3A_6] : memref<327680xi32, #tpu.memory_space<hbm>> -> memref<128xi32, #tpu.memory_space<hbm>>
    %dma_start3A_7 = tpu.memref_slice %arg3[%add3A_6] : memref<327680xi32, #tpu.memory_space<hbm>> -> memref<128xi32, #tpu.memory_space<hbm>>
    tpu.enqueue_dma source(%dma_start3A_7 : memref<128xi32, #tpu.memory_space<hbm>>) target(%arg7 : memref<128xi32, #tpu.memory_space<vmem>>) target_semaphore(%arg13 : memref<!tpu.dma_semaphore, #tpu.memory_space<semaphore_mem>>)
    %add3A_8 = arith.constant 0 : i32
    %add3A_9 = arith.addi %mul3A_4, %add3A_8 : i32
    %dma_start3A_10 = tpu.memref_slice %arg4[%add3A_9] : memref<327680xi32, #tpu.memory_space<hbm>> -> memref<128xi32, #tpu.memory_space<hbm>>
    %dma_start3A_11 = tpu.memref_slice %arg4[%add3A_9] : memref<327680xi32, #tpu.memory_space<hbm>> -> memref<128xi32, #tpu.memory_space<hbm>>
    tpu.enqueue_dma source(%dma_start3A_11 : memref<128xi32, #tpu.memory_space<hbm>>) target(%arg9 : memref<128xi32, #tpu.memory_space<vmem>>) target_semaphore(%arg15 : memref<!tpu.dma_semaphore, #tpu.memory_space<semaphore_mem>>)
    %dma_wait3A = arith.constant 0 : i32
    %dma_wait3A_12 = tpu.memref_slice %arg3[%dma_wait3A] : memref<327680xi32, #tpu.memory_space<hbm>> -> memref<128xi32, #tpu.memory_space<hbm>>
    %dma_wait3A_13 = arith.constant 0 : i32
    %dma_wait3A_14 = tpu.memref_slice %arg3[%dma_wait3A_13] : memref<327680xi32, #tpu.memory_space<hbm>> -> memref<128xi32, #tpu.memory_space<hbm>>
    tpu.wait_dma2 semaphore(%arg13 : memref<!tpu.dma_semaphore, #tpu.memory_space<semaphore_mem>>) src(%dma_wait3A_14 : memref<128xi32, #tpu.memory_space<hbm>>) dst(%arg7 : memref<128xi32, #tpu.memory_space<vmem>>)
    %dma_wait3A_15 = arith.constant 0 : i32
    %dma_wait3A_16 = tpu.memref_slice %arg4[%dma_wait3A_15] : memref<327680xi32, #tpu.memory_space<hbm>> -> memref<128xi32, #tpu.memory_space<hbm>>
    %dma_wait3A_17 = arith.constant 0 : i32
    %dma_wait3A_18 = tpu.memref_slice %arg4[%dma_wait3A_17] : memref<327680xi32, #tpu.memory_space<hbm>> -> memref<128xi32, #tpu.memory_space<hbm>>
    tpu.wait_dma2 semaphore(%arg15 : memref<!tpu.dma_semaphore, #tpu.memory_space<semaphore_mem>>) src(%dma_wait3A_18 : memref<128xi32, #tpu.memory_space<hbm>>) dst(%arg9 : memref<128xi32, #tpu.memory_space<vmem>>)
    %add3A_19 = arith.constant 128 : i32
    %add3A_20 = arith.addi %mul3A_4, %add3A_19 : i32
    %dma_start3A_21 = tpu.memref_slice %arg3[%add3A_20] : memref<327680xi32, #tpu.memory_space<hbm>> -> memref<128xi32, #tpu.memory_space<hbm>>
    %dma_start3A_22 = tpu.memref_slice %arg3[%add3A_20] : memref<327680xi32, #tpu.memory_space<hbm>> -> memref<128xi32, #tpu.memory_space<hbm>>
    tpu.enqueue_dma source(%dma_start3A_22 : memref<128xi32, #tpu.memory_space<hbm>>) target(%arg8 : memref<128xi32, #tpu.memory_space<vmem>>) target_semaphore(%arg14 : memref<!tpu.dma_semaphore, #tpu.memory_space<semaphore_mem>>)
    %add3A_23 = arith.constant 128 : i32
    %add3A_24 = arith.addi %mul3A_4, %add3A_23 : i32
    %dma_start3A_25 = tpu.memref_slice %arg4[%add3A_24] : memref<327680xi32, #tpu.memory_space<hbm>> -> memref<128xi32, #tpu.memory_space<hbm>>
    %dma_start3A_26 = tpu.memref_slice %arg4[%add3A_24] : memref<327680xi32, #tpu.memory_space<hbm>> -> memref<128xi32, #tpu.memory_space<hbm>>
    tpu.enqueue_dma source(%dma_start3A_26 : memref<128xi32, #tpu.memory_space<hbm>>) target(%arg10 : memref<128xi32, #tpu.memory_space<vmem>>) target_semaphore(%arg16 : memref<!tpu.dma_semaphore, #tpu.memory_space<semaphore_mem>>)
    %dma_start3A_27 = arith.constant 0 : i32
    %dma_start3A_28 = arith.constant 0 : i32
    %dma_start3A_29 = tpu.memref_slice %arg2[%dma_start3A_27, %dma_start3A_28] : memref<10000x128xf32, #tpu.memory_space<hbm>> -> memref<10000x128xf32, #tpu.memory_space<hbm>>
    tpu.enqueue_indirect_dma source(%dma_start3A_29 : memref<10000x128xf32, #tpu.memory_space<hbm>>) target(%arg11 : memref<128x128xf32, #tpu.memory_space<vmem>>) offsets(%arg7 : memref<128xi32, #tpu.memory_space<vmem>>) semaphore(%arg17 : memref<!tpu.dma_semaphore, #tpu.memory_space<semaphore_mem>>)
    %scan3A = arith.constant 0 : i32
    %scan3A_30 = arith.constant 0 : i32
    %scan3A_31 = arith.constant 39 : i32
    %scan3A_32 = arith.addi %scan3A_30, %scan3A_31 : i32
    %scan3A_33 = arith.constant 1 : i32
    scf.for %scan3A_53 = %scan3A_30 to %scan3A_32 step %scan3A_33  : i32 {
      %dma_wait3A_54 = arith.constant 0 : i32
      %dma_wait3A_55 = tpu.memref_slice %arg3[%dma_wait3A_54] : memref<327680xi32, #tpu.memory_space<hbm>> -> memref<128xi32, #tpu.memory_space<hbm>>
      %dma_wait3A_56 = arith.constant 0 : i32
      %dma_wait3A_57 = tpu.memref_slice %arg3[%dma_wait3A_56] : memref<327680xi32, #tpu.memory_space<hbm>> -> memref<128xi32, #tpu.memory_space<hbm>>
      tpu.wait_dma2 semaphore(%arg14 : memref<!tpu.dma_semaphore, #tpu.memory_space<semaphore_mem>>) src(%dma_wait3A_57 : memref<128xi32, #tpu.memory_space<hbm>>) dst(%arg8 : memref<128xi32, #tpu.memory_space<vmem>>)
      %dma_wait3A_58 = arith.constant 0 : i32
      %dma_wait3A_59 = tpu.memref_slice %arg4[%dma_wait3A_58] : memref<327680xi32, #tpu.memory_space<hbm>> -> memref<128xi32, #tpu.memory_space<hbm>>
      %dma_wait3A_60 = arith.constant 0 : i32
      %dma_wait3A_61 = tpu.memref_slice %arg4[%dma_wait3A_60] : memref<327680xi32, #tpu.memory_space<hbm>> -> memref<128xi32, #tpu.memory_space<hbm>>
      tpu.wait_dma2 semaphore(%arg16 : memref<!tpu.dma_semaphore, #tpu.memory_space<semaphore_mem>>) src(%dma_wait3A_61 : memref<128xi32, #tpu.memory_space<hbm>>) dst(%arg10 : memref<128xi32, #tpu.memory_space<vmem>>)
      %dma_start3A_62 = arith.constant 0 : i32
      %dma_start3A_63 = arith.constant 0 : i32
      %dma_start3A_64 = tpu.memref_slice %arg2[%dma_start3A_62, %dma_start3A_63] : memref<10000x128xf32, #tpu.memory_space<hbm>> -> memref<10000x128xf32, #tpu.memory_space<hbm>>
      tpu.enqueue_indirect_dma source(%dma_start3A_64 : memref<10000x128xf32, #tpu.memory_space<hbm>>) target(%arg12 : memref<128x128xf32, #tpu.memory_space<vmem>>) offsets(%arg8 : memref<128xi32, #tpu.memory_space<vmem>>) semaphore(%arg18 : memref<!tpu.dma_semaphore, #tpu.memory_space<semaphore_mem>>)
      %dma_wait3A_65 = arith.constant 0 : i32
      %dma_wait3A_66 = arith.constant 0 : i32
      %dma_wait3A_67 = tpu.memref_slice %arg2[%dma_wait3A_65, %dma_wait3A_66] : memref<10000x128xf32, #tpu.memory_space<hbm>> -> memref<10000x128xf32, #tpu.memory_space<hbm>>
      tpu.wait_indirect_dma semaphore(%arg17 : memref<!tpu.dma_semaphore, #tpu.memory_space<semaphore_mem>>) src(%dma_wait3A_67 : memref<10000x128xf32, #tpu.memory_space<hbm>>) dst(%arg11 : memref<128x128xf32, #tpu.memory_space<vmem>>)
      "tpu.region"() ({
        %run_scoped3A = tpu.sem_alloc : memref<!tpu.dma_semaphore, #tpu.memory_space<semaphore_mem>>
        %dma_start3A_114 = arith.constant 0 : i32
        %dma_start3A_115 = arith.constant 0 : i32
        %dma_start3A_116 = tpu.memref_slice %arg19[%dma_start3A_114, %dma_start3A_115] : memref<10112x128xf32, #tpu.memory_space<vmem_shared>> -> memref<10112x128xf32, #tpu.memory_space<vmem_shared>>
        tpu.enqueue_indirect_dma source(%arg11 : memref<128x128xf32, #tpu.memory_space<vmem>>) target(%dma_start3A_116 : memref<10112x128xf32, #tpu.memory_space<vmem_shared>>) offsets(%arg9 : memref<128xi32, #tpu.memory_space<vmem>>) semaphore(%run_scoped3A : memref<!tpu.dma_semaphore, #tpu.memory_space<semaphore_mem>>) {add = true}
        %dma_wait3A_117 = arith.constant 0 : i32
        %dma_wait3A_118 = arith.constant 0 : i32
        %dma_wait3A_119 = tpu.memref_slice %arg19[%dma_wait3A_117, %dma_wait3A_118] : memref<10112x128xf32, #tpu.memory_space<vmem_shared>> -> memref<10112x128xf32, #tpu.memory_space<vmem_shared>>
        tpu.wait_indirect_dma semaphore(%run_scoped3A : memref<!tpu.dma_semaphore, #tpu.memory_space<semaphore_mem>>) src(%arg11 : memref<128x128xf32, #tpu.memory_space<vmem>>) dst(%dma_wait3A_119 : memref<10112x128xf32, #tpu.memory_space<vmem_shared>>)
        tpu.yield
      }) : () -> ()
      %mul3A_68 = arith.constant 2 : i32
      %mul3A_69 = arith.muli %mul3A_68, %scan3A_53 : i32
      %add3A_70 = arith.constant 0 : i32
      %add3A_71 = arith.addi %mul3A_69, %add3A_70 : i32
      %add3A_72 = arith.constant 2 : i32
      %add3A_73 = arith.addi %add3A_71, %add3A_72 : i32
      %mul3A_74 = arith.constant 128 : i32
      %mul3A_75 = arith.muli %add3A_73, %mul3A_74 : i32
      %add3A_76 = arith.addi %mul3A_4, %mul3A_75 : i32
      %dma_start3A_77 = tpu.memref_slice %arg3[%add3A_76] : memref<327680xi32, #tpu.memory_space<hbm>> -> memref<128xi32, #tpu.memory_space<hbm>>
      %dma_start3A_78 = tpu.memref_slice %arg3[%add3A_76] : memref<327680xi32, #tpu.memory_space<hbm>> -> memref<128xi32, #tpu.memory_space<hbm>>
      tpu.enqueue_dma source(%dma_start3A_78 : memref<128xi32, #tpu.memory_space<hbm>>) target(%arg7 : memref<128xi32, #tpu.memory_space<vmem>>) target_semaphore(%arg13 : memref<!tpu.dma_semaphore, #tpu.memory_space<semaphore_mem>>)
      %mul3A_79 = arith.constant 128 : i32
      %mul3A_80 = arith.muli %add3A_73, %mul3A_79 : i32
      %add3A_81 = arith.addi %mul3A_4, %mul3A_80 : i32
      %dma_start3A_82 = tpu.memref_slice %arg4[%add3A_81] : memref<327680xi32, #tpu.memory_space<hbm>> -> memref<128xi32, #tpu.memory_space<hbm>>
      %dma_start3A_83 = tpu.memref_slice %arg4[%add3A_81] : memref<327680xi32, #tpu.memory_space<hbm>> -> memref<128xi32, #tpu.memory_space<hbm>>
      tpu.enqueue_dma source(%dma_start3A_83 : memref<128xi32, #tpu.memory_space<hbm>>) target(%arg9 : memref<128xi32, #tpu.memory_space<vmem>>) target_semaphore(%arg15 : memref<!tpu.dma_semaphore, #tpu.memory_space<semaphore_mem>>)
      %dma_wait3A_84 = arith.constant 0 : i32
      %dma_wait3A_85 = tpu.memref_slice %arg3[%dma_wait3A_84] : memref<327680xi32, #tpu.memory_space<hbm>> -> memref<128xi32, #tpu.memory_space<hbm>>
      %dma_wait3A_86 = arith.constant 0 : i32
      %dma_wait3A_87 = tpu.memref_slice %arg3[%dma_wait3A_86] : memref<327680xi32, #tpu.memory_space<hbm>> -> memref<128xi32, #tpu.memory_space<hbm>>
      tpu.wait_dma2 semaphore(%arg13 : memref<!tpu.dma_semaphore, #tpu.memory_space<semaphore_mem>>) src(%dma_wait3A_87 : memref<128xi32, #tpu.memory_space<hbm>>) dst(%arg7 : memref<128xi32, #tpu.memory_space<vmem>>)
      %dma_wait3A_88 = arith.constant 0 : i32
      %dma_wait3A_89 = tpu.memref_slice %arg4[%dma_wait3A_88] : memref<327680xi32, #tpu.memory_space<hbm>> -> memref<128xi32, #tpu.memory_space<hbm>>
      %dma_wait3A_90 = arith.constant 0 : i32
      %dma_wait3A_91 = tpu.memref_slice %arg4[%dma_wait3A_90] : memref<327680xi32, #tpu.memory_space<hbm>> -> memref<128xi32, #tpu.memory_space<hbm>>
      tpu.wait_dma2 semaphore(%arg15 : memref<!tpu.dma_semaphore, #tpu.memory_space<semaphore_mem>>) src(%dma_wait3A_91 : memref<128xi32, #tpu.memory_space<hbm>>) dst(%arg9 : memref<128xi32, #tpu.memory_space<vmem>>)
      %dma_start3A_92 = arith.constant 0 : i32
      %dma_start3A_93 = arith.constant 0 : i32
      %dma_start3A_94 = tpu.memref_slice %arg2[%dma_start3A_92, %dma_start3A_93] : memref<10000x128xf32, #tpu.memory_space<hbm>> -> memref<10000x128xf32, #tpu.memory_space<hbm>>
      tpu.enqueue_indirect_dma source(%dma_start3A_94 : memref<10000x128xf32, #tpu.memory_space<hbm>>) target(%arg11 : memref<128x128xf32, #tpu.memory_space<vmem>>) offsets(%arg7 : memref<128xi32, #tpu.memory_space<vmem>>) semaphore(%arg17 : memref<!tpu.dma_semaphore, #tpu.memory_space<semaphore_mem>>)
      %dma_wait3A_95 = arith.constant 0 : i32
      %dma_wait3A_96 = arith.constant 0 : i32
      %dma_wait3A_97 = tpu.memref_slice %arg2[%dma_wait3A_95, %dma_wait3A_96] : memref<10000x128xf32, #tpu.memory_space<hbm>> -> memref<10000x128xf32, #tpu.memory_space<hbm>>
      tpu.wait_indirect_dma semaphore(%arg18 : memref<!tpu.dma_semaphore, #tpu.memory_space<semaphore_mem>>) src(%dma_wait3A_97 : memref<10000x128xf32, #tpu.memory_space<hbm>>) dst(%arg12 : memref<128x128xf32, #tpu.memory_space<vmem>>)
      "tpu.region"() ({
        %run_scoped3A = tpu.sem_alloc : memref<!tpu.dma_semaphore, #tpu.memory_space<semaphore_mem>>
        %dma_start3A_114 = arith.constant 0 : i32
        %dma_start3A_115 = arith.constant 0 : i32
        %dma_start3A_116 = tpu.memref_slice %arg19[%dma_start3A_114, %dma_start3A_115] : memref<10112x128xf32, #tpu.memory_space<vmem_shared>> -> memref<10112x128xf32, #tpu.memory_space<vmem_shared>>
        tpu.enqueue_indirect_dma source(%arg12 : memref<128x128xf32, #tpu.memory_space<vmem>>) target(%dma_start3A_116 : memref<10112x128xf32, #tpu.memory_space<vmem_shared>>) offsets(%arg10 : memref<128xi32, #tpu.memory_space<vmem>>) semaphore(%run_scoped3A : memref<!tpu.dma_semaphore, #tpu.memory_space<semaphore_mem>>) {add = true}
        %dma_wait3A_117 = arith.constant 0 : i32
        %dma_wait3A_118 = arith.constant 0 : i32
        %dma_wait3A_119 = tpu.memref_slice %arg19[%dma_wait3A_117, %dma_wait3A_118] : memref<10112x128xf32, #tpu.memory_space<vmem_shared>> -> memref<10112x128xf32, #tpu.memory_space<vmem_shared>>
        tpu.wait_indirect_dma semaphore(%run_scoped3A : memref<!tpu.dma_semaphore, #tpu.memory_space<semaphore_mem>>) src(%arg12 : memref<128x128xf32, #tpu.memory_space<vmem>>) dst(%dma_wait3A_119 : memref<10112x128xf32, #tpu.memory_space<vmem_shared>>)
        tpu.yield
      }) : () -> ()
      %mul3A_98 = arith.constant 2 : i32
      %mul3A_99 = arith.muli %mul3A_98, %scan3A_53 : i32
      %add3A_100 = arith.constant 1 : i32
      %add3A_101 = arith.addi %mul3A_99, %add3A_100 : i32
      %add3A_102 = arith.constant 2 : i32
      %add3A_103 = arith.addi %add3A_101, %add3A_102 : i32
      %mul3A_104 = arith.constant 128 : i32
      %mul3A_105 = arith.muli %add3A_103, %mul3A_104 : i32
      %add3A_106 = arith.addi %mul3A_4, %mul3A_105 : i32
      %dma_start3A_107 = tpu.memref_slice %arg3[%add3A_106] : memref<327680xi32, #tpu.memory_space<hbm>> -> memref<128xi32, #tpu.memory_space<hbm>>
      %dma_start3A_108 = tpu.memref_slice %arg3[%add3A_106] : memref<327680xi32, #tpu.memory_space<hbm>> -> memref<128xi32, #tpu.memory_space<hbm>>
      tpu.enqueue_dma source(%dma_start3A_108 : memref<128xi32, #tpu.memory_space<hbm>>) target(%arg8 : memref<128xi32, #tpu.memory_space<vmem>>) target_semaphore(%arg14 : memref<!tpu.dma_semaphore, #tpu.memory_space<semaphore_mem>>)
      %mul3A_109 = arith.constant 128 : i32
      %mul3A_110 = arith.muli %add3A_103, %mul3A_109 : i32
      %add3A_111 = arith.addi %mul3A_4, %mul3A_110 : i32
      %dma_start3A_112 = tpu.memref_slice %arg4[%add3A_111] : memref<327680xi32, #tpu.memory_space<hbm>> -> memref<128xi32, #tpu.memory_space<hbm>>
      %dma_start3A_113 = tpu.memref_slice %arg4[%add3A_111] : memref<327680xi32, #tpu.memory_space<hbm>> -> memref<128xi32, #tpu.memory_space<hbm>>
      tpu.enqueue_dma source(%dma_start3A_113 : memref<128xi32, #tpu.memory_space<hbm>>) target(%arg10 : memref<128xi32, #tpu.memory_space<vmem>>) target_semaphore(%arg16 : memref<!tpu.dma_semaphore, #tpu.memory_space<semaphore_mem>>)
    }
    %scan3A_34 = arith.constant 39 : i32
    %dma_wait3A_35 = arith.constant 0 : i32
    %dma_wait3A_36 = tpu.memref_slice %arg3[%dma_wait3A_35] : memref<327680xi32, #tpu.memory_space<hbm>> -> memref<128xi32, #tpu.memory_space<hbm>>
    %dma_wait3A_37 = arith.constant 0 : i32
    %dma_wait3A_38 = tpu.memref_slice %arg3[%dma_wait3A_37] : memref<327680xi32, #tpu.memory_space<hbm>> -> memref<128xi32, #tpu.memory_space<hbm>>
    tpu.wait_dma2 semaphore(%arg14 : memref<!tpu.dma_semaphore, #tpu.memory_space<semaphore_mem>>) src(%dma_wait3A_38 : memref<128xi32, #tpu.memory_space<hbm>>) dst(%arg8 : memref<128xi32, #tpu.memory_space<vmem>>)
    %dma_wait3A_39 = arith.constant 0 : i32
    %dma_wait3A_40 = tpu.memref_slice %arg4[%dma_wait3A_39] : memref<327680xi32, #tpu.memory_space<hbm>> -> memref<128xi32, #tpu.memory_space<hbm>>
    %dma_wait3A_41 = arith.constant 0 : i32
    %dma_wait3A_42 = tpu.memref_slice %arg4[%dma_wait3A_41] : memref<327680xi32, #tpu.memory_space<hbm>> -> memref<128xi32, #tpu.memory_space<hbm>>
    tpu.wait_dma2 semaphore(%arg16 : memref<!tpu.dma_semaphore, #tpu.memory_space<semaphore_mem>>) src(%dma_wait3A_42 : memref<128xi32, #tpu.memory_space<hbm>>) dst(%arg10 : memref<128xi32, #tpu.memory_space<vmem>>)
    %dma_start3A_43 = arith.constant 0 : i32
    %dma_start3A_44 = arith.constant 0 : i32
    %dma_start3A_45 = tpu.memref_slice %arg2[%dma_start3A_43, %dma_start3A_44] : memref<10000x128xf32, #tpu.memory_space<hbm>> -> memref<10000x128xf32, #tpu.memory_space<hbm>>
    tpu.enqueue_indirect_dma source(%dma_start3A_45 : memref<10000x128xf32, #tpu.memory_space<hbm>>) target(%arg12 : memref<128x128xf32, #tpu.memory_space<vmem>>) offsets(%arg8 : memref<128xi32, #tpu.memory_space<vmem>>) semaphore(%arg18 : memref<!tpu.dma_semaphore, #tpu.memory_space<semaphore_mem>>)
    %dma_wait3A_46 = arith.constant 0 : i32
    %dma_wait3A_47 = arith.constant 0 : i32
    %dma_wait3A_48 = tpu.memref_slice %arg2[%dma_wait3A_46, %dma_wait3A_47] : memref<10000x128xf32, #tpu.memory_space<hbm>> -> memref<10000x128xf32, #tpu.memory_space<hbm>>
    tpu.wait_indirect_dma semaphore(%arg17 : memref<!tpu.dma_semaphore, #tpu.memory_space<semaphore_mem>>) src(%dma_wait3A_48 : memref<10000x128xf32, #tpu.memory_space<hbm>>) dst(%arg11 : memref<128x128xf32, #tpu.memory_space<vmem>>)
    "tpu.region"() ({
      %run_scoped3A = tpu.sem_alloc : memref<!tpu.dma_semaphore, #tpu.memory_space<semaphore_mem>>
      %dma_start3A_53 = arith.constant 0 : i32
      %dma_start3A_54 = arith.constant 0 : i32
      %dma_start3A_55 = tpu.memref_slice %arg19[%dma_start3A_53, %dma_start3A_54] : memref<10112x128xf32, #tpu.memory_space<vmem_shared>> -> memref<10112x128xf32, #tpu.memory_space<vmem_shared>>
      tpu.enqueue_indirect_dma source(%arg11 : memref<128x128xf32, #tpu.memory_space<vmem>>) target(%dma_start3A_55 : memref<10112x128xf32, #tpu.memory_space<vmem_shared>>) offsets(%arg9 : memref<128xi32, #tpu.memory_space<vmem>>) semaphore(%run_scoped3A : memref<!tpu.dma_semaphore, #tpu.memory_space<semaphore_mem>>) {add = true}
      %dma_wait3A_56 = arith.constant 0 : i32
      %dma_wait3A_57 = arith.constant 0 : i32
      %dma_wait3A_58 = tpu.memref_slice %arg19[%dma_wait3A_56, %dma_wait3A_57] : memref<10112x128xf32, #tpu.memory_space<vmem_shared>> -> memref<10112x128xf32, #tpu.memory_space<vmem_shared>>
      tpu.wait_indirect_dma semaphore(%run_scoped3A : memref<!tpu.dma_semaphore, #tpu.memory_space<semaphore_mem>>) src(%arg11 : memref<128x128xf32, #tpu.memory_space<vmem>>) dst(%dma_wait3A_58 : memref<10112x128xf32, #tpu.memory_space<vmem_shared>>)
      tpu.yield
    }) : () -> ()
    %dma_wait3A_49 = arith.constant 0 : i32
    %dma_wait3A_50 = arith.constant 0 : i32
    %dma_wait3A_51 = tpu.memref_slice %arg2[%dma_wait3A_49, %dma_wait3A_50] : memref<10000x128xf32, #tpu.memory_space<hbm>> -> memref<10000x128xf32, #tpu.memory_space<hbm>>
    tpu.wait_indirect_dma semaphore(%arg18 : memref<!tpu.dma_semaphore, #tpu.memory_space<semaphore_mem>>) src(%dma_wait3A_51 : memref<10000x128xf32, #tpu.memory_space<hbm>>) dst(%arg12 : memref<128x128xf32, #tpu.memory_space<vmem>>)
    "tpu.region"() ({
      %run_scoped3A = tpu.sem_alloc : memref<!tpu.dma_semaphore, #tpu.memory_space<semaphore_mem>>
      %dma_start3A_53 = arith.constant 0 : i32
      %dma_start3A_54 = arith.constant 0 : i32
      %dma_start3A_55 = tpu.memref_slice %arg19[%dma_start3A_53, %dma_start3A_54] : memref<10112x128xf32, #tpu.memory_space<vmem_shared>> -> memref<10112x128xf32, #tpu.memory_space<vmem_shared>>
      tpu.enqueue_indirect_dma source(%arg12 : memref<128x128xf32, #tpu.memory_space<vmem>>) target(%dma_start3A_55 : memref<10112x128xf32, #tpu.memory_space<vmem_shared>>) offsets(%arg10 : memref<128xi32, #tpu.memory_space<vmem>>) semaphore(%run_scoped3A : memref<!tpu.dma_semaphore, #tpu.memory_space<semaphore_mem>>) {add = true}
      %dma_wait3A_56 = arith.constant 0 : i32
      %dma_wait3A_57 = arith.constant 0 : i32
      %dma_wait3A_58 = tpu.memref_slice %arg19[%dma_wait3A_56, %dma_wait3A_57] : memref<10112x128xf32, #tpu.memory_space<vmem_shared>> -> memref<10112x128xf32, #tpu.memory_space<vmem_shared>>
      tpu.wait_indirect_dma semaphore(%run_scoped3A : memref<!tpu.dma_semaphore, #tpu.memory_space<semaphore_mem>>) src(%arg12 : memref<128x128xf32, #tpu.memory_space<vmem>>) dst(%dma_wait3A_58 : memref<10112x128xf32, #tpu.memory_space<vmem_shared>>)
      tpu.yield
    }) : () -> ()
    %barrier3A_52 = arith.constant 0 : index
    tpu.barrier barrier_id(%barrier3A_52)
    "tpu.region"() ({
      %run_scoped3A = tpu.sem_alloc : memref<!tpu.dma_semaphore, #tpu.memory_space<semaphore_mem>>
      %dma_start3A_53 = arith.constant 0 : i32
      %dma_start3A_54 = tpu.memref_slice %arg6[%arg0, %mul3A_2, %dma_start3A_53] : memref<2x10112x128xf32, #tpu.memory_space<hbm>> -> memref<1x632x128xf32, #tpu.memory_space<hbm>>
      %dma_start3A_55 = tpu.memref_squeeze %dma_start3A_54 : memref<1x632x128xf32, #tpu.memory_space<hbm>> -> memref<632x128xf32, #tpu.memory_space<hbm>>
      %dma_start3A_56 = arith.constant 0 : i32
      %dma_start3A_57 = tpu.memref_slice %arg19[%mul3A_2, %dma_start3A_56] : memref<10112x128xf32, #tpu.memory_space<vmem_shared>> -> memref<632x128xf32, #tpu.memory_space<vmem_shared>>
      tpu.enqueue_dma source(%dma_start3A_57 : memref<632x128xf32, #tpu.memory_space<vmem_shared>>) target(%dma_start3A_55 : memref<632x128xf32, #tpu.memory_space<hbm>>) target_semaphore(%run_scoped3A : memref<!tpu.dma_semaphore, #tpu.memory_space<semaphore_mem>>)
      %dma_wait3A_58 = arith.constant 0 : i32
      %dma_wait3A_59 = tpu.memref_slice %arg6[%arg0, %mul3A_2, %dma_wait3A_58] : memref<2x10112x128xf32, #tpu.memory_space<hbm>> -> memref<1x632x128xf32, #tpu.memory_space<hbm>>
      %dma_wait3A_60 = tpu.memref_squeeze %dma_wait3A_59 : memref<1x632x128xf32, #tpu.memory_space<hbm>> -> memref<632x128xf32, #tpu.memory_space<hbm>>
      %dma_wait3A_61 = arith.constant 0 : i32
      %dma_wait3A_62 = tpu.memref_slice %arg19[%mul3A_2, %dma_wait3A_61] : memref<10112x128xf32, #tpu.memory_space<vmem_shared>> -> memref<632x128xf32, #tpu.memory_space<vmem_shared>>
      tpu.wait_dma2 semaphore(%run_scoped3A : memref<!tpu.dma_semaphore, #tpu.memory_space<semaphore_mem>>) src(%dma_wait3A_62 : memref<632x128xf32, #tpu.memory_space<vmem_shared>>) dst(%dma_wait3A_60 : memref<632x128xf32, #tpu.memory_space<hbm>>)
      tpu.yield
    }) : () -> ()
    return
  }
}

module attributes {stable_mosaic.version = 14 : i64} {
  func.func @_tc_g(%arg0: i32, %arg1: memref<1000x128xf32, #tpu.memory_space<vmem>>, %arg2: memref<128x128xf32, #tpu.memory_space<vmem>>, %arg3: memref<1000x32xf32, #tpu.memory_space<vmem>>, %arg4: memref<1000x128xf32, #tpu.memory_space<vmem>>) attributes {dimension_semantics = [#tpu.dimension_semantics<arbitrary>], iteration_bounds = array<i64: 10>, scalar_prefetch = 0 : i64, scratch_operands = 0 : i64, tpu.core_type = #tpu.core_type<tc>, window_params = [{transform_indices = @transform_0, window_bounds = array<i64: 1000, 128>}, {pipeline_mode = #tpu.pipeline_mode<synchronous>, transform_indices = @transform_1, window_bounds = array<i64: 128, 128>}, {transform_indices = @transform_2, window_bounds = array<i64: 1000, 32>}, {transform_indices = @transform_3, window_bounds = array<i64: 1000, 128>}]} {
    %get3A = arith.constant 0 : index
    %get3A_0 = arith.constant 0 : index
    %get3A_1 = vector.load %arg1[%get3A, %get3A_0] : memref<1000x128xf32, #tpu.memory_space<vmem>>, vector<1000x128xf32>
    %get3A_2 = arith.constant 0 : index
    %get3A_3 = arith.constant 0 : index
    %get3A_4 = vector.load %arg2[%get3A_2, %get3A_3] : memref<128x128xf32, #tpu.memory_space<vmem>>, vector<128x128xf32>
    %dot_general3A = arith.constant dense<0.000000e+00> : vector<1000x128xf32>
    %dot_general3A_5 = tpu.matmul %get3A_1, %get3A_4, %dot_general3A {dimension_numbers = #tpu.dot_dimension_numbers<[1], [0], [0], [1], [0, 0, 1, 1], [], []>, transpose_lhs_hint = false} : vector<1000x128xf32>, vector<128x128xf32>, vector<1000x128xf32> -> vector<1000x128xf32>
    %get3A_6 = arith.constant 0 : index
    %get3A_7 = arith.constant 0 : index
    %get3A_8 = vector.load %arg3[%get3A_6, %get3A_7] : memref<1000x32xf32, #tpu.memory_space<vmem>>, vector<1000x32xf32>
    %reduce_sum3A = arith.constant dense<0.000000e+00> : vector<1000xf32>
    %reduce_sum3A_9 = vector.multi_reduction <add>, %get3A_8, %reduce_sum3A [1] : vector<1000x32xf32> to vector<1000xf32>
    %add3A = arith.constant 1.000000e+00 : f32
    %add3A_10 = vector.broadcast %add3A : f32 to vector<1000xf32>
    %add3A_11 = arith.addf %reduce_sum3A_9, %add3A_10 : vector<1000xf32>
    %rsqrt3A = math.rsqrt %add3A_11 : vector<1000xf32>
    %broadcast_in_dim3A = vector.shape_cast %rsqrt3A : vector<1000xf32> to vector<1000x1xf32>
    %mul3A = vector.broadcast %broadcast_in_dim3A : vector<1000x1xf32> to vector<1000x128xf32>
    %mul3A_12 = arith.mulf %dot_general3A_5, %mul3A : vector<1000x128xf32>
    %swap3A = arith.constant 0 : index
    %swap3A_13 = arith.constant 0 : index
    %swap3A_14 = vector.load %arg4[%swap3A, %swap3A_13] : memref<1000x128xf32, #tpu.memory_space<vmem>>, vector<1000x128xf32>
    tpu.vector_store %arg4[%swap3A, %swap3A_13], %mul3A_12 {strides = array<i32>} : memref<1000x128xf32, #tpu.memory_space<vmem>>, vector<1000x128xf32>,
    return
  }
  func.func @transform_0(%arg0: i32) -> (i32, i32) {
    %c0_i32 = arith.constant 0 : i32
    %c0_i32_0 = arith.constant 0 : i32
    return %arg0, %c0_i32 : i32, i32
  }
  func.func @transform_1(%arg0: i32) -> (i32, i32) {
    %c0_i32 = arith.constant 0 : i32
    %c0_i32_0 = arith.constant 0 : i32
    %c0_i32_1 = arith.constant 0 : i32
    return %c0_i32, %c0_i32_0 : i32, i32
  }
  func.func @transform_2(%arg0: i32) -> (i32, i32) {
    %c0_i32 = arith.constant 0 : i32
    %c0_i32_0 = arith.constant 0 : i32
    return %arg0, %c0_i32 : i32, i32
  }
  func.func @transform_3(%arg0: i32) -> (i32, i32) {
    %c0_i32 = arith.constant 0 : i32
    %c0_i32_0 = arith.constant 0 : i32
    return %arg0, %c0_i32 : i32, i32
  }
}

module attributes {stable_mosaic.version = 14 : i64} {
  func.func @_tc_comb(%arg0: i32, %arg1: memref<2x1000x128xf32, #tpu.memory_space<vmem>>, %arg2: memref<1000x128xf32, #tpu.memory_space<vmem>>, %arg3: memref<1000x32xf32, #tpu.memory_space<vmem>>, %arg4: memref<1x128xf32, #tpu.memory_space<vmem>>, %arg5: memref<1000x128xf32, #tpu.memory_space<vmem>>, %arg6: memref<1x1x128xf32, #tpu.memory_space<vmem>>, %arg7: memref<1x1x128xf32, #tpu.memory_space<vmem>>) attributes {dimension_semantics = [#tpu.dimension_semantics<arbitrary>], iteration_bounds = array<i64: 10>, scalar_prefetch = 0 : i64, scratch_operands = 0 : i64, tpu.core_type = #tpu.core_type<tc>, window_params = [{transform_indices = @transform_0, window_bounds = array<i64: 2, 1000, 128>}, {transform_indices = @transform_1, window_bounds = array<i64: 1000, 128>}, {transform_indices = @transform_2, window_bounds = array<i64: 1000, 32>}, {pipeline_mode = #tpu.pipeline_mode<synchronous>, transform_indices = @transform_3, window_bounds = array<i64: 1, 128>}, {transform_indices = @transform_4, window_bounds = array<i64: 1000, 128>}, {transform_indices = @transform_5, window_bounds = array<i64: 1, 1, 128>}, {transform_indices = @transform_6, window_bounds = array<i64: 1, 1, 128>}]} {
    %get3A = arith.constant 0 : index
    %get3A_0 = arith.constant 0 : index
    %get3A_1 = vector.load %arg3[%get3A, %get3A_0] : memref<1000x32xf32, #tpu.memory_space<vmem>>, vector<1000x32xf32>
    %reduce_sum3A = arith.constant dense<0.000000e+00> : vector<1000xf32>
    %reduce_sum3A_2 = vector.multi_reduction <add>, %get3A_1, %reduce_sum3A [1] : vector<1000x32xf32> to vector<1000xf32>
    %add3A = arith.constant 1.000000e+00 : f32
    %add3A_3 = vector.broadcast %add3A : f32 to vector<1000xf32>
    %add3A_4 = arith.addf %reduce_sum3A_2, %add3A_3 : vector<1000xf32>
    %rsqrt3A = math.rsqrt %add3A_4 : vector<1000xf32>
    %broadcast_in_dim3A = vector.shape_cast %rsqrt3A : vector<1000xf32> to vector<1000x1xf32>
    %get3A_5 = arith.constant 0 : index
    %get3A_6 = arith.constant 0 : index
    %get3A_7 = arith.constant 0 : index
    %get3A_8 = vector.load %arg1[%get3A_5, %get3A_6, %get3A_7] : memref<2x1000x128xf32, #tpu.memory_space<vmem>>, vector<1x1000x128xf32>
    %get3A_9 = vector.shape_cast %get3A_8 : vector<1x1000x128xf32> to vector<1000x128xf32>
    %get3A_10 = arith.constant 1 : index
    %get3A_11 = arith.constant 0 : index
    %get3A_12 = arith.constant 0 : index
    %get3A_13 = vector.load %arg1[%get3A_10, %get3A_11, %get3A_12] : memref<2x1000x128xf32, #tpu.memory_space<vmem>>, vector<1x1000x128xf32>
    %get3A_14 = vector.shape_cast %get3A_13 : vector<1x1000x128xf32> to vector<1000x128xf32>
    %add3A_15 = arith.addf %get3A_9, %get3A_14 : vector<1000x128xf32>
    %get3A_16 = arith.constant 0 : index
    %get3A_17 = arith.constant 0 : index
    %get3A_18 = vector.load %arg2[%get3A_16, %get3A_17] : memref<1000x128xf32, #tpu.memory_space<vmem>>, vector<1000x128xf32>
    %add3A_19 = arith.addf %add3A_15, %get3A_18 : vector<1000x128xf32>
    %mul3A = vector.broadcast %broadcast_in_dim3A : vector<1000x1xf32> to vector<1000x128xf32>
    %mul3A_20 = arith.mulf %mul3A, %add3A_19 : vector<1000x128xf32>
    %get3A_21 = arith.constant 0 : index
    %get3A_22 = arith.constant 0 : index
    %get3A_23 = vector.load %arg4[%get3A_21, %get3A_22] : memref<1x128xf32, #tpu.memory_space<vmem>>, vector<1x128xf32>
    %add3A_24 = vector.broadcast %get3A_23 : vector<1x128xf32> to vector<1000x128xf32>
    %add3A_25 = arith.addf %mul3A_20, %add3A_24 : vector<1000x128xf32>
    %swap3A = arith.constant 0 : index
    %swap3A_26 = arith.constant 0 : index
    %swap3A_27 = vector.load %arg5[%swap3A, %swap3A_26] : memref<1000x128xf32, #tpu.memory_space<vmem>>, vector<1000x128xf32>
    tpu.vector_store %arg5[%swap3A, %swap3A_26], %add3A_25 {strides = array<i32>} : memref<1000x128xf32, #tpu.memory_space<vmem>>, vector<1000x128xf32>,
    %reduce_sum3A_28 = arith.constant dense<0.000000e+00> : vector<128xf32>
    %reduce_sum3A_29 = vector.multi_reduction <add>, %add3A_25, %reduce_sum3A_28 [0] : vector<1000x128xf32> to vector<128xf32>
    %reshape3A = vector.shape_cast %reduce_sum3A_29 : vector<128xf32> to vector<1x1x128xf32>
    %swap3A_30 = arith.constant 0 : index
    %swap3A_31 = arith.constant 0 : index
    %swap3A_32 = arith.constant 0 : index
    %swap3A_33 = vector.load %arg6[%swap3A_30, %swap3A_31, %swap3A_32] : memref<1x1x128xf32, #tpu.memory_space<vmem>>, vector<1x1x128xf32>
    tpu.vector_store %arg6[%swap3A_30, %swap3A_31, %swap3A_32], %reshape3A {strides = array<i32>} : memref<1x1x128xf32, #tpu.memory_space<vmem>>, vector<1x1x128xf32>,
    %mul3A_34 = arith.mulf %add3A_25, %add3A_25 : vector<1000x128xf32>
    %reduce_sum3A_35 = arith.constant dense<0.000000e+00> : vector<128xf32>
    %reduce_sum3A_36 = vector.multi_reduction <add>, %mul3A_34, %reduce_sum3A_35 [0] : vector<1000x128xf32> to vector<128xf32>
    %reshape3A_37 = vector.shape_cast %reduce_sum3A_36 : vector<128xf32> to vector<1x1x128xf32>
    %swap3A_38 = arith.constant 0 : index
    %swap3A_39 = arith.constant 0 : index
    %swap3A_40 = arith.constant 0 : index
    %swap3A_41 = vector.load %arg7[%swap3A_38, %swap3A_39, %swap3A_40] : memref<1x1x128xf32, #tpu.memory_space<vmem>>, vector<1x1x128xf32>
    tpu.vector_store %arg7[%swap3A_38, %swap3A_39, %swap3A_40], %reshape3A_37 {strides = array<i32>} : memref<1x1x128xf32, #tpu.memory_space<vmem>>, vector<1x1x128xf32>,
    return
  }
  func.func @transform_0(%arg0: i32) -> (i32, i32, i32) {
    %c0_i32 = arith.constant 0 : i32
    %c0_i32_0 = arith.constant 0 : i32
    %c0_i32_1 = arith.constant 0 : i32
    return %c0_i32, %arg0, %c0_i32_0 : i32, i32, i32
  }
  func.func @transform_1(%arg0: i32) -> (i32, i32) {
    %c0_i32 = arith.constant 0 : i32
    %c0_i32_0 = arith.constant 0 : i32
    return %arg0, %c0_i32 : i32, i32
  }
  func.func @transform_2(%arg0: i32) -> (i32, i32) {
    %c0_i32 = arith.constant 0 : i32
    %c0_i32_0 = arith.constant 0 : i32
    return %arg0, %c0_i32 : i32, i32
  }
  func.func @transform_3(%arg0: i32) -> (i32, i32) {
    %c0_i32 = arith.constant 0 : i32
    %c0_i32_0 = arith.constant 0 : i32
    %c0_i32_1 = arith.constant 0 : i32
    return %c0_i32, %c0_i32_0 : i32, i32
  }
  func.func @transform_4(%arg0: i32) -> (i32, i32) {
    %c0_i32 = arith.constant 0 : i32
    %c0_i32_0 = arith.constant 0 : i32
    return %arg0, %c0_i32 : i32, i32
  }
  func.func @transform_5(%arg0: i32) -> (i32, i32, i32) {
    %c0_i32 = arith.constant 0 : i32
    %c0_i32_0 = arith.constant 0 : i32
    %c0_i32_1 = arith.constant 0 : i32
    return %arg0, %c0_i32, %c0_i32_0 : i32, i32, i32
  }
  func.func @transform_6(%arg0: i32) -> (i32, i32, i32) {
    %c0_i32 = arith.constant 0 : i32
    %c0_i32_0 = arith.constant 0 : i32
    %c0_i32_1 = arith.constant 0 : i32
    return %arg0, %c0_i32, %c0_i32_0 : i32, i32, i32
  }
}

module attributes {stable_mosaic.version = 14 : i64} {
  func.func @_tc_bn(%arg0: i32, %arg1: memref<1000x128xf32, #tpu.memory_space<vmem>>, %arg2: memref<10x1x128xf32, #tpu.memory_space<vmem>>, %arg3: memref<10x1x128xf32, #tpu.memory_space<vmem>>, %arg4: memref<1x128xf32, #tpu.memory_space<vmem>>, %arg5: memref<1x128xf32, #tpu.memory_space<vmem>>, %arg6: memref<1000x128xf32, #tpu.memory_space<vmem>>) attributes {dimension_semantics = [#tpu.dimension_semantics<arbitrary>], iteration_bounds = array<i64: 10>, scalar_prefetch = 0 : i64, scratch_operands = 0 : i64, tpu.core_type = #tpu.core_type<tc>, window_params = [{transform_indices = @transform_0, window_bounds = array<i64: 1000, 128>}, {pipeline_mode = #tpu.pipeline_mode<synchronous>, transform_indices = @transform_1, window_bounds = array<i64: 10, 1, 128>}, {pipeline_mode = #tpu.pipeline_mode<synchronous>, transform_indices = @transform_2, window_bounds = array<i64: 10, 1, 128>}, {pipeline_mode = #tpu.pipeline_mode<synchronous>, transform_indices = @transform_3, window_bounds = array<i64: 1, 128>}, {pipeline_mode = #tpu.pipeline_mode<synchronous>, transform_indices = @transform_4, window_bounds = array<i64: 1, 128>}, {transform_indices = @transform_5, window_bounds = array<i64: 1000, 128>}]} {
    %get3A = arith.constant 0 : index
    %get3A_0 = arith.constant 0 : index
    %get3A_1 = arith.constant 0 : index
    %get3A_2 = vector.load %arg2[%get3A, %get3A_0, %get3A_1] : memref<10x1x128xf32, #tpu.memory_space<vmem>>, vector<10x1x128xf32>
    %reduce_sum3A = arith.constant dense<0.000000e+00> : vector<1x128xf32>
    %reduce_sum3A_3 = vector.multi_reduction <add>, %get3A_2, %reduce_sum3A [0] : vector<10x1x128xf32> to vector<1x128xf32>
    %mul3A = arith.constant 9.99999974E-5 : f32
    %mul3A_4 = vector.broadcast %mul3A : f32 to vector<1x128xf32>
    %mul3A_5 = arith.mulf %reduce_sum3A_3, %mul3A_4 : vector<1x128xf32>
    %get3A_6 = arith.constant 0 : index
    %get3A_7 = arith.constant 0 : index
    %get3A_8 = arith.constant 0 : index
    %get3A_9 = vector.load %arg3[%get3A_6, %get3A_7, %get3A_8] : memref<10x1x128xf32, #tpu.memory_space<vmem>>, vector<10x1x128xf32>
    %reduce_sum3A_10 = arith.constant dense<0.000000e+00> : vector<1x128xf32>
    %reduce_sum3A_11 = vector.multi_reduction <add>, %get3A_9, %reduce_sum3A_10 [0] : vector<10x1x128xf32> to vector<1x128xf32>
    %mul3A_12 = arith.constant 9.99999974E-5 : f32
    %mul3A_13 = vector.broadcast %mul3A_12 : f32 to vector<1x128xf32>
    %mul3A_14 = arith.mulf %reduce_sum3A_11, %mul3A_13 : vector<1x128xf32>
    %mul3A_15 = arith.mulf %mul3A_5, %mul3A_5 : vector<1x128xf32>
    %sub3A = arith.subf %mul3A_14, %mul3A_15 : vector<1x128xf32>
    %get3A_16 = arith.constant 0 : index
    %get3A_17 = arith.constant 0 : index
    %get3A_18 = vector.load %arg1[%get3A_16, %get3A_17] : memref<1000x128xf32, #tpu.memory_space<vmem>>, vector<1000x128xf32>
    %sub3A_19 = vector.broadcast %mul3A_5 : vector<1x128xf32> to vector<1000x128xf32>
    %sub3A_20 = arith.subf %get3A_18, %sub3A_19 : vector<1000x128xf32>
    %add3A = arith.constant 9.99999974E-6 : f32
    %add3A_21 = vector.broadcast %add3A : f32 to vector<1x128xf32>
    %add3A_22 = arith.addf %sub3A, %add3A_21 : vector<1x128xf32>
    %rsqrt3A = math.rsqrt %add3A_22 : vector<1x128xf32>
    %mul3A_23 = vector.broadcast %rsqrt3A : vector<1x128xf32> to vector<1000x128xf32>
    %mul3A_24 = arith.mulf %sub3A_20, %mul3A_23 : vector<1000x128xf32>
    %get3A_25 = arith.constant 0 : index
    %get3A_26 = arith.constant 0 : index
    %get3A_27 = vector.load %arg4[%get3A_25, %get3A_26] : memref<1x128xf32, #tpu.memory_space<vmem>>, vector<1x128xf32>
    %mul3A_28 = vector.broadcast %get3A_27 : vector<1x128xf32> to vector<1000x128xf32>
    %mul3A_29 = arith.mulf %mul3A_24, %mul3A_28 : vector<1000x128xf32>
    %get3A_30 = arith.constant 0 : index
    %get3A_31 = arith.constant 0 : index
    %get3A_32 = vector.load %arg5[%get3A_30, %get3A_31] : memref<1x128xf32, #tpu.memory_space<vmem>>, vector<1x128xf32>
    %add3A_33 = vector.broadcast %get3A_32 : vector<1x128xf32> to vector<1000x128xf32>
    %add3A_34 = arith.addf %mul3A_29, %add3A_33 : vector<1000x128xf32>
    %max3A = arith.constant 0.000000e+00 : f32
    %max3A_35 = vector.broadcast %max3A : f32 to vector<1000x128xf32>
    %max3A_36 = arith.maximumf %add3A_34, %max3A_35 : vector<1000x128xf32>
    %swap3A = arith.constant 0 : index
    %swap3A_37 = arith.constant 0 : index
    %swap3A_38 = vector.load %arg6[%swap3A, %swap3A_37] : memref<1000x128xf32, #tpu.memory_space<vmem>>, vector<1000x128xf32>
    tpu.vector_store %arg6[%swap3A, %swap3A_37], %max3A_36 {strides = array<i32>} : memref<1000x128xf32, #tpu.memory_space<vmem>>, vector<1000x128xf32>,
    return
  }
  func.func @transform_0(%arg0: i32) -> (i32, i32) {
    %c0_i32 = arith.constant 0 : i32
    %c0_i32_0 = arith.constant 0 : i32
    return %arg0, %c0_i32 : i32, i32
  }
  func.func @transform_1(%arg0: i32) -> (i32, i32, i32) {
    %c0_i32 = arith.constant 0 : i32
    %c0_i32_0 = arith.constant 0 : i32
    %c0_i32_1 = arith.constant 0 : i32
    %c0_i32_2 = arith.constant 0 : i32
    return %c0_i32, %c0_i32_0, %c0_i32_1 : i32, i32, i32
  }
  func.func @transform_2(%arg0: i32) -> (i32, i32, i32) {
    %c0_i32 = arith.constant 0 : i32
    %c0_i32_0 = arith.constant 0 : i32
    %c0_i32_1 = arith.constant 0 : i32
    %c0_i32_2 = arith.constant 0 : i32
    return %c0_i32, %c0_i32_0, %c0_i32_1 : i32, i32, i32
  }
  func.func @transform_3(%arg0: i32) -> (i32, i32) {
    %c0_i32 = arith.constant 0 : i32
    %c0_i32_0 = arith.constant 0 : i32
    %c0_i32_1 = arith.constant 0 : i32
    return %c0_i32, %c0_i32_0 : i32, i32
  }
  func.func @transform_4(%arg0: i32) -> (i32, i32) {
    %c0_i32 = arith.constant 0 : i32
    %c0_i32_0 = arith.constant 0 : i32
    %c0_i32_1 = arith.constant 0 : i32
    return %c0_i32, %c0_i32_0 : i32, i32
  }
  func.func @transform_5(%arg0: i32) -> (i32, i32) {
    %c0_i32 = arith.constant 0 : i32
    %c0_i32_0 = arith.constant 0 : i32
    return %arg0, %c0_i32 : i32, i32
  }
}

</mosaic_0001>

<sc_bundles>
// kernel: kernel.10.cloned.1.call-start
scs
__scs_entry_jumppad:
0x0: {  	(pc) =	sbr.rel $0x88, $3  }
0x1: {  	(tag) =	ssettag $0x0;
	lr =	simm.s32 $0x1  }
0x2: {  	[smem:$0x3F9B] =	sst lr;
	_ =	strace $0xD0000000  }
0x3: {  	_ = 	snop  }
0x4: {  	_ = 	snop  }
0x5: {  	_ = 	snop  }
0x6: {  	_ = 	snop  }
0x7: {  	_ = 	snop  }
__scs_overlays_trampoline_lowered:
0x8: {  	[smem:$0x3FAA] =	sst s0  }
0x9: {  	[smem:$0x3FAB] =	sst s1  }
0xa: {  	[smem:$0x3FAC] =	sst s2  }
0xb: {  	[smem:$0x3FAD] =	sst s3  }
0xc: {  	[smem:$0x3FAE] =	sst s4  }
0xd: {  	[smem:$0x3FAF] =	sst s5  }
0xe: {  	[smem:$0x3FB0] =	sst s6  }
0xf: {  	[smem:$0x3FB1] =	sst s7  }
0x10: {  	[smem:$0x3FB2] =	sst s8  }
0x11: {  	[smem:$0x3FB3] =	sst s9;
	s0 =	simm.s32 @!p0 $0x0  }
0x12: {  	s1 =	sld [smem:$0x3F99];
	s0 =	simm.s32 @p0 $0x1  }
0x13: {  	[smem:$0x3FB4] =	sst s0;
	s0 =	simm.s32 @!p1 $0x0  }
0x14: {  	s2 =	sld [smem:$0x3F98];
	s0 =	simm.s32 @p1 $0x1  }
0x15: {  	[smem:$0x3FB5] =	sst s0;
	s0 =	simm.s32 @!p2 $0x0  }
0x16: {  	s3 =	sld [smem:$0x3FDB];
	s0 =	simm.s32 @p2 $0x1  }
0x17: {  	s4 =	simm.s32 $0x1BF5;
	[smem:$0x3FB7] =	sst s0  }
0x18: {  	s0 =	sld [smem:$0x3F9A];
	_ =	swait.ge [sflag:s4], $0x0  }
0x19: {  	s7 =	sld [smem:$0x3F9B]  }
0x1a: {  	s8 =	sadd.s32 $0xFFFFE003, lr  }
0x1b: {  	s9 =	sadd.s32 $0xFFFFFEF7, lr;
	s5 =	simm.s32 $0xFFFFFFFF;
	p2 =	slt.u32 s8, $0xFFFFF086  }
0x1c: {  	p1 =	slt.u32 s9, $0xF7A;
	s5 =	simm.s32 @!p2 $0x0  }
0x1d: {  	s5 =	simm.s32 @p1 $0x1;
	p0 =	seq.s32 s7, s2  }
0x1e: {  	s7 =	smul.u32 @!p0 $0xF7A, s2;
	p2 =	seq.s32 @!p0 s5, $0x0  }
0x1f: {  	s9 =	smul.u32 $0xF7A, s1;
	s8 =	simm.s32 @!p0 $0x1BF5;
	p2 =	por !p2, p0  }
0x20: {  	[sflag:s8] =	ssyncset.s32 @!p0 $0xFFFFF086;
	s6 =	sadd.s32 @!p0 s3, s7;
	s7 =	simm.s32 @!p0 $0x108  }
0x21: {  	s3 =	sadd.s32 s3, s9;
	s6 =	sadd.s32 @!p0 $0x88, s6;
	s7 =	simm.s32 @p2 $0x1082  }
0x22: {  	[simem:s7], [sflag:s8] =	dma.local @!p0 [hbm:s6], $0xF7A  }
0x23: {  	s9 =	sor.u32 $0xD0000000, s2;
	s6 =	simm.s32 $0x108;
	_ =	swait.ge @!p0 [sflag:s8], $0x0  }
0x24: {  	s3 =	sadd.s32 $0x88, s3;
	s6 =	simm.s32 @!p1 $0x1082;
	[sflag:s4] =	ssyncset.s32 $0xFFFFF086  }
0x25: {  	[simem:s6], [sflag:s4] =	dma.local [hbm:s3], $0xF7A  }
0x26: {  	[smem:$0x3F9B] =	sst s1;
	(tag) =	ssettag s2;
	_ =	strace s9  }
0x27: {  	s1 =	sld [smem:$0x3FAB]  }
0x28: {  	s2 =	sld [smem:$0x3FAC]  }
0x29: {  	s4 =	sld [smem:$0x3FAE]  }
0x2a: {  	p0 =	seq.s32 s5, $0x0;
	s5 =	sld [smem:$0x3FAF]  }
0x2b: {  	s6 =	sld [smem:$0x3FB0]  }
0x2c: {  	s7 =	sld [smem:$0x3FB1]  }
0x2d: {  	s3 =	simm.s32 $0x108;
	s8 =	sld [smem:$0x3FB2]  }
0x2e: {  	s3 =	simm.s32 @!p0 $0x1082;
	s9 =	sld [smem:$0x3FB3]  }
0x2f: {  	lr =	sadd.s32 s0, s3;
	s0 =	sld [smem:$0x3FAA]  }
0x30: {  	s3 =	sld [smem:$0x3FAD]  }
0x31: {  	[smem:$0x3FB6] =	sst s10  }
0x32: {  	s10 =	sld [smem:$0x3FB4];
	_ =	sdelay $0x3  }
0x33: {  	p0 =	seq.s32 s10, $0x1;
	s10 =	sld [smem:$0x3FB6];
	_ =	sdelay $0x3  }
0x34: {  	[smem:$0x3FB6] =	sst s10  }
0x35: {  	s10 =	sld [smem:$0x3FB5];
	_ =	sdelay $0x3  }
0x36: {  	p1 =	seq.s32 s10, $0x1;
	s10 =	sld [smem:$0x3FB6];
	_ =	sdelay $0x3  }
0x37: {  	[smem:$0x3FB6] =	sst s10  }
0x38: {  	s10 =	sld [smem:$0x3FB7]  }
0x39: {  	_ = 	snop;
	(pc) =	sbr.ind lr, $3  }
0x3a: {  	_ = 	snop  }
0x3b: {  	_ = 	snop  }
0x3c: {  	p2 =	seq.s32 s10, $0x1;
	s10 =	sld [smem:$0x3FB6]  }
0x3d: {  	_ =	shalt  }
0x3e: {  	_ =	shalt  }
0x3f: {  	_ =	shalt  }
0x40: {  	_ =	shalt  }
0x41: {  	_ =	shalt  }
0x42: {  	_ =	shalt  }
0x43: {  	_ =	shalt  }
0x44: {  	_ =	shalt  }
0x45: {  	_ =	shalt  }
0x46: {  	_ =	shalt  }
0x47: {  	_ =	shalt  }
0x48: {  	_ =	shalt  }
0x49: {  	_ =	shalt  }
0x4a: {  	_ =	shalt  }
0x4b: {  	_ =	shalt  }
0x4c: {  	_ =	shalt  }
0x4d: {  	_ =	shalt  }
0x4e: {  	_ =	shalt  }
0x4f: {  	_ =	shalt  }
0x50: {  	_ =	shalt  }
0x51: {  	_ =	shalt  }
0x52: {  	_ =	shalt  }
0x53: {  	_ =	shalt  }
0x54: {  	_ =	shalt  }
0x55: {  	_ =	shalt  }
0x56: {  	_ =	shalt  }
0x57: {  	_ =	shalt  }
0x58: {  	_ =	shalt  }
0x59: {  	_ =	shalt  }
0x5a: {  	_ =	shalt  }
0x5b: {  	_ =	shalt  }
0x5c: {  	_ =	shalt  }
0x5d: {  	_ =	shalt  }
0x5e: {  	_ =	shalt  }
0x5f: {  	_ =	shalt  }
0x60: {  	_ =	shalt  }
0x61: {  	_ =	shalt  }
0x62: {  	_ =	shalt  }
0x63: {  	_ =	shalt  }
0x64: {  	_ =	shalt  }
0x65: {  	_ =	shalt  }
0x66: {  	_ =	shalt  }
0x67: {  	_ =	shalt  }
0x68: {  	_ =	shalt  }
0x69: {  	_ =	shalt  }
0x6a: {  	_ =	shalt  }
0x6b: {  	_ =	shalt  }
0x6c: {  	_ =	shalt  }
0x6d: {  	_ =	shalt  }
0x6e: {  	_ =	shalt  }
0x6f: {  	_ =	shalt  }
0x70: {  	_ =	shalt  }
0x71: {  	_ =	shalt  }
0x72: {  	_ =	shalt  }
0x73: {  	_ =	shalt  }
0x74: {  	_ =	shalt  }
0x75: {  	_ =	shalt  }
0x76: {  	_ =	shalt  }
0x77: {  	_ =	shalt  }
0x78: {  	_ =	shalt  }
0x79: {  	_ =	shalt  }
0x7a: {  	_ =	shalt  }
0x7b: {  	_ =	shalt  }
0x7c: {  	_ =	shalt  }
0x7d: {  	_ =	shalt  }
0x7e: {  	_ =	shalt  }
0x7f: {  	_ =	shalt  }
0x80: {  	_ =	shalt  }
0x81: {  	_ =	shalt  }
0x82: {  	_ =	shalt  }
0x83: {  	_ =	shalt  }
0x84: {  	_ =	shalt  }
0x85: {  	_ =	shalt  }
0x86: {  	_ =	shalt  }
0x87: {  	_ =	shalt  }
.Lfunc_end0:
.L_simem_size_0:
called_computation.1_lowered:
.L_overlay_start_0:
0x88: {  	s2 =	sld [smem:$0x3FD9]  }
0x89: {  	s3 =	sld [smem:$0x3FFE];
	_ =	sdelay $0x1  }
0x8a: {  	s1 =	srdreg.scid  }
0x8b: {  	s0 =	sand.u32 $0x1, s1  }
0x8c: {  	s17 =	sshll.u32 s0, $0xA;
	s2 =	sadd.s32 s3, s2  }
0x8d: {  	s2 =	sadd.s32 s2, s17  }
0x8e: {  	[smem:$0x3FC2] =	sst s2  }
0x8f: {  	_ = 	snop  }
0x90: {  	s2 =	sld [smem:$0x3FD0];
	(tm) =	ssettm $0x1  }
0x91: {  	s18 =	sld [smem:$0x3FFB];
	_ =	sdelay $0x3  }
0x92: {  	_ =	strace s18  }
0x93: {  	s3 =	sld [smem:$0x3FFC];
	_ =	sdelay $0x3  }
0x94: {  	_ =	strace s3  }
0x95: {  	s3 =	sld [smem:$0x3FFD];
	_ =	sdelay $0x3  }
0x96: {  	_ =	strace s3  }
0x97: {  	_ =	strace $0x8FFFFFFF  }
0x98: {  	s19 =	sld [smem:$0x3FDB];
	_ =	sdelay $0x1  }
0x99: {  	s4 =	simm.s32 $_scs_section_size  }
0x9a: {  	s5 =	simm.s32 $_size__tile_overlayer_lowered;
	s6 =	simm.s32 $_tile_overlayer_lowered  }
0x9b: {  	s22 =	simm.s32 $0x1BFF;
	s21 =	sshll.u32 s6, $0x1;
	s3 =	sadd.s32 s4, s19  }
0x9c: {  	s7 =	simm.s32 $0x0;
	s20 =	sshll.u32 s5, $0x1;
	s5 =	sadd.s32 s21, s3  }
0x9d: {  	[timem:s7], [sflag:s22] =	dma.local [hbm:s5], s20  }
0x9e: {  	_ =	swait.ge [sflag:s22], s20  }
0x9f: {  	s4 =	ssub.s32 $0x0, s20;
	[sflag:s22] =	ssyncset.done $0x0  }
0xa0: {  	[sflag:s22] =	ssyncadd.s32 s4;
	_ =	sdelay $0x1  }
0xa1: {  	s23 =	simm.s32 $0x1B8B  }
0xa2: {  	_ =	swait.ge [sflag:s23], $0x1  }
0xa3: {  	[sflag:s23] =	ssyncset.done $0x0  }
0xa4: {  	s25 =	simm.s32 $0x1B8E;
	s24 =	sld [smem:$0x3FFE];
	[sflag:s23] =	ssyncadd.s32 $0xFFFFFFFF  }
0xa5: {  	s26 =	simm.s32 $execute0_lowered;
	[smem:$0x3FD2] =	sst s25  }
0xa6: {  	s5 =	sshll.u32 s26, $0x1;
	_ =	strace $0x80000049;
	[dreg:$0x1] =	wrdreg $0xFFFFFFFF  }
0xa7: {  	s28 =	simm.s32 $_size_execute0_lowered;
	s3 =	sadd.s32 s3, s5;
	[dreg:$0x0] =	wrdreg $0x0  }
0xa8: {  	s5 =	sshll.u32 s28, $0x1;
	[dreg:$0x2] =	wrdreg s3  }
0xa9: {  	[dreg:$0x3] =	wrdreg s5  }
0xaa: {  	[dreg:$0x4] =	wrdreg $0xC0  }
0xab: {  	_ =	task [dreg:s7], $0x5FFFF  }
0xac: {  	[dreg:$0x1] =	wrdreg $0xFFFFFFFF  }
0xad: {  	[dreg:$0x0] =	wrdreg $0x60  }
0xae: {  	[dreg:$0x2] =	wrdreg s2  }
0xaf: {  	[dreg:$0x3] =	wrdreg s24  }
0xb0: {  	[dreg:$0x4] =	wrdreg $0x82000  }
0xb1: {  	[dreg:$0x5] =	wrdreg $0x9  }
0xb2: {  	_ =	task.clear_ibuf [dreg:s7], $0x6FFFF;
	_ =	strace $0x90000049  }
0xb3: {  	s29 =	simm.s32 $0x9;
	_ =	strace $0x8000004B  }
0xb4: {  	_ =	swait.ge [sflag:s29], $0x1  }
0xb5: {  	[sflag:s29] =	ssyncadd.s32 $0xFFFFFFFF  }
0xb6: {  	_ =	strace $0x9000004B  }
0xb7: {  	_ =	sfence  }
0xb8: {  	s30 =	sld [smem:$0x0];
	_ =	sdelay $0x2  }
0xb9: {  	s31 =	sshll.u32 s1, $0xD;
	s1 =	sshrl.u32 s1, $0x2  }
0xba: {  	s3 =	sand.u32 $0x4000, s31;
	s1 =	sadd.s32 s1, s30  }
0xbb: {  	s0 =	sor.u32 s3, s0;
	s1 =	sshll.u32 s1, $0x11  }
0xbc: {  	s0 =	sor.u32 s1, s0  }
0xbd: {  	s0 =	sadd.s32 $0x8F2B, s0  }
0xbe: {  	[sflag:s0] =	ssyncadd.remote.s32 $0x1  }
0xbf: {  	_ =	sfence.sel $0xFFFF  }
0xc0: {  	[dreg:$0x0] =	wrdreg $0xFFFFFFFF;
	(pc) =	sbr.abs _section_cstart, $3  }
0xc1: {  	[dreg:$0x1] =	wrdreg $0xFFFFFFFF  }
0xc2: {  	_ =	task.clear_ibuf [dreg:s7], $0x2FFFF;
	_ =	strace $0x9FFFFFFF  }
0xc3: {  	(tm) =	ssettm $0x7FFFFFFF  }
tec
execute0_lowered:
.L_overlay_start_1:
0x0: {  	(tag) =	ssettag $0x1  }
0x1: {  	s2 =	rddreg [dreg:$0x0]  }
0x2: {  	s0 =	rddreg [dreg:$0x1]  }
0x3: {  	s3 =	rddreg [dreg:$0x2];
	s10 =	stileid.u32  }
0x4: {  	s1 =	srdreg.scid;
	s4 =	simm.s32 $0x0;
	s18 =	simm.s32 $0x7  }
0x5: {  	s28 =	simm.s32 $0x4200;
	s29 =	simm.s32 $0x5;
	s30 =	simm.s32 $0x6  }
0x6: {  	s31 =	simm.s32 $0x0;
	s5 =	smul.u32 $0x13C00, s10;
	s1 =	sand.u32 $0x1, s1  }
0x7: {  	[smem:$0x7FF] =	sst s4;
	s16 =	sadd.s32 $0xB600, s0;
	s20 =	smul.u32 $0x4F000, s10  }
0x8: {  	s15 =	sadd.s32 $0x1600, s0;
	s8 =	sshll.u32 s10, $0x1;
	s11 =	smul.u32 $0x5000, s10  }
0x9: {  	s23 =	sshll.u32 s10, $0x6;
	s6 =	smul.u32 $0x13C000, s1;
	_ =	strace $0x8000004A  }
0xa: {  	s21 =	ssub.s32 $0x2, s1;
	s8 =	sor.u32 s1, s8;
	s1 =	smul.u32 $0x2800, s1  }
0xb: {  	s7 =	sshrl.u32 s5, $0x3;
	s9 =	sshrl.u32 s21, $0x1;
	s8 =	smul.u32 $0x2800, s8  }
0xc: {  	s5 =	sadd.s32 s5, s6;
	s19 =	sadd.s32 s7, s0;
	s7 =	sshrl.u32 s20, $0x2  }
0xd: {  	s12 =	ssub.s32 s21, s9;
	s6 =	sor.u32 $0x1C07, s23;
	s1 =	sadd.s32 s1, s11  }
0xe: {  	s20 =	simm.s32 $0x1;
	s21 =	simm.s32 $0x3;
	s23 =	simm.s32 $0x180  }
0xf: {  	s5 =	sshrl.u32 s5, $0x3;
	s17 =	sadd.s32 s7, s3;
	s22 =	sadd.s32 $0x15600, s19  }
0x10: {  	s24 =	sshrl.u32 s8, $0x3;
	s26 =	sor.u32 $0x180, s1;
	s1 =	sor.u32 $0x100, s1  }
0x11: {  	s12 =	smax.u32 s12, $0x1;
	s19 =	simm.s32 $0x100;
	s0 =	sadd.s32 s5, s0  }
0x12: {  	[dreg:$0x4] =	wrdreg s22;
	s7 =	sadd.s32 s16, s24;
	s8 =	sadd.s32 s15, s24  }
0x13: {  	s25 =	sor.u32 $0x10, s24;
	s1 =	sshrl.u32 s1, $0x3;
	s17 =	sshrl.u32 s17, $0x3  }
0x14: {  	s22 =	simm.s32 $0x80;
	s24 =	simm.s32 $0x200;
	s9 =	sadd.s32 s16, s25  }
0x15: {  	s10 =	sadd.s32 s15, s25;
	s11 =	sadd.s32 $0x3CE00, s0;
	s0 =	sshrl.u32 s26, $0x3  }
0x16: {  	s25 =	simm.s32 $0x2;
	s26 =	simm.s32 $0x4;
	s13 =	sadd.s32 s0, s15  }
0x17: {  	s14 =	sadd.s32 s0, s16;
	s15 =	sadd.s32 s1, s15;
	s16 =	sadd.s32 s1, s16  }
.LBB2_1:
0x18: {  	s0 =	rddreg [dreg:$0x4]  }
0x19: {  	[spmem:s17], [sflag:s6] =	dma.local [hbm:s0], $0x2780  }
0x1a: {  	_ =	swait.ge [sflag:s18], $0x2780  }
0x1b: {  	[sflag:s18] =	ssyncset.done $0x0  }
0x1c: {  	[sflag:s18] =	ssyncadd.s32 $0xFFFFD880  }
0x1d: {  	[bflag:$0x0] =	sbarrier.arrive $0xFFFF  }
0x1e: {  	[tilespmem:s4], [sflag:$0x1] =	stream.linear.gather [hbm4b:s7+s4], $0x80, $0x38;
	[tilespmem:$0x1BE00] =	vst v63  }
0x1f: {  	_ = 	snop  }
0x20: {  	[tilespmem:s19], [sflag:$0x3] =	stream.linear.gather [hbm4b:s8+s4], $0x80, $0x38;
	[tilespmem:$0x1BE00] =	vst v63  }
0x21: {  	_ =	swait.ge [sflag:s20], $0x80  }
0x22: {  	[sflag:s20] =	ssyncset.done $0x0  }
0x23: {  	[sflag:s20] =	ssyncadd.s32 $0xFFFFFF80  }
0x24: {  	_ =	swait.ge [sflag:s21], $0x80  }
0x25: {  	[sflag:s21] =	ssyncset.done $0x0  }
0x26: {  	[sflag:s21] =	ssyncadd.s32 $0xFFFFFF80  }
0x27: {  	[tilespmem:s22], [sflag:$0x2] =	stream.linear.gather [hbm4b:s9+s4], $0x80, $0x38;
	[tilespmem:$0x1BE00] =	vst v63  }
0x28: {  	_ = 	snop  }
0x29: {  	[tilespmem:s23], [sflag:$0x4] =	stream.linear.gather [hbm4b:s10+s4], $0x80, $0x38;
	[tilespmem:$0x1BE00] =	vst v63  }
0x2a: {  	_ = 	snop  }
0x2b: {  	[tilespmem:s24], [sflag:$0x5] =	stream.indirect.gather [hbm4b:s2+s22], $0x80, s4, s22, $0xb8;
	[tilespmem:$0x1BE00] =	vst v63  }
0x2c: {  	_ =	swait.ge [sflag:s25], $0x80  }
0x2d: {  	[sflag:s25] =	ssyncset.done $0x0  }
0x2e: {  	[sflag:s25] =	ssyncadd.s32 $0xFFFFFF80  }
0x2f: {  	_ =	swait.ge [sflag:s26], $0x80  }
0x30: {  	[sflag:s26] =	ssyncset.done $0x0  }
0x31: {  	[sflag:s26] =	ssyncadd.s32 $0xFFFFFF80  }
0x32: {  	[tilespmem:s28], [sflag:$0x6] =	stream.indirect.gather [hbm4b:s2+s22], $0x80, s22, s22, $0xb8;
	[tilespmem:$0x1BE00] =	vst v63  }
0x33: {  	_ =	swait.ge [sflag:s29], $0x4000  }
0x34: {  	[sflag:s29] =	ssyncset.done $0x0  }
0x35: {  	[sflag:s29] =	ssyncadd.s32 $0xFFFFC000  }
0x36: {  	[spmem:s3] =	stream.indirect.scatter.add.f32 [tilespmem:s24], [sflag:$0x7], $0x80, s19, s22, $0xb8;
	[tilespmem:$0x1BE00] =	vst v63  }
0x37: {  	_ =	swait.ge [sflag:s18], $0x4000  }
0x38: {  	[sflag:s18] =	ssyncset.done $0x0  }
0x39: {  	s5 =	sadd.s32 $0x0, s16;
	[sflag:s18] =	ssyncadd.s32 $0xFFFFC000  }
0x3a: {  	[tilespmem:s4], [sflag:$0x1] =	stream.linear.gather [hbm4b:s5+s4], $0x80, $0x38;
	[tilespmem:$0x1BE00] =	vst v63  }
0x3b: {  	s1 =	sadd.s32 $0x0, s15  }
0x3c: {  	[tilespmem:s19], [sflag:$0x3] =	stream.linear.gather [hbm4b:s1+s4], $0x80, $0x38;
	[tilespmem:$0x1BE00] =	vst v63  }
0x3d: {  	_ =	swait.ge [sflag:s20], $0x80  }
0x3e: {  	[sflag:s20] =	ssyncset.done $0x0  }
0x3f: {  	[sflag:s20] =	ssyncadd.s32 $0xFFFFFF80  }
0x40: {  	_ =	swait.ge [sflag:s21], $0x80  }
0x41: {  	[sflag:s21] =	ssyncset.done $0x0  }
0x42: {  	[sflag:s21] =	ssyncadd.s32 $0xFFFFFF80  }
0x43: {  	[tilespmem:s24], [sflag:$0x5] =	stream.indirect.gather [hbm4b:s2+s22], $0x80, s4, s22, $0xb8;
	[tilespmem:$0x1BE00] =	vst v63  }
0x44: {  	_ =	swait.ge [sflag:s30], $0x4000  }
0x45: {  	[sflag:s30] =	ssyncset.done $0x0  }
0x46: {  	[sflag:s30] =	ssyncadd.s32 $0xFFFFC000  }
0x47: {  	[spmem:s3] =	stream.indirect.scatter.add.f32 [tilespmem:s28], [sflag:$0x7], $0x80, s23, s22, $0xb8;
	[tilespmem:$0x1BE00] =	vst v63  }
0x48: {  	_ =	swait.ge [sflag:s18], $0x4000  }
0x49: {  	s0 =	simm.s32 $0x20;
	[sflag:s18] =	ssyncset.done $0x0  }
0x4a: {  	s5 =	sadd.s32 $0x0, s14;
	s1 =	sadd.s32 $0x0, s13;
	[sflag:s18] =	ssyncadd.s32 $0xFFFFC000  }
0x4b: {  	[tilespmem:s22], [sflag:$0x2] =	stream.linear.gather [hbm4b:s5+s4], $0x80, $0x38;
	[tilespmem:$0x1BE00] =	vst v63  }
.LBB2_2:
0x4c: {  	[tilespmem:s23], [sflag:$0x4] =	stream.linear.gather [hbm4b:s1+s4], $0x80, $0x38;
	[tilespmem:$0x1BE00] =	vst v63  }
0x4d: {  	s1 =	smov.u32 s0  }
0x4e: {  	p0 =	sne.s32 s0, $0x4C0;
	s0 =	sadd.s32 $0x20, s0;
	_ =	swait.ge [sflag:s25], $0x80  }
0x4f: {  	[sflag:s25] =	ssyncset.done $0x0  }
0x50: {  	[sflag:s25] =	ssyncadd.s32 $0xFFFFFF80  }
0x51: {  	_ =	swait.ge [sflag:s26], $0x80  }
0x52: {  	[sflag:s26] =	ssyncset.done $0x0  }
0x53: {  	[sflag:s26] =	ssyncadd.s32 $0xFFFFFF80  }
0x54: {  	[tilespmem:s28], [sflag:$0x6] =	stream.indirect.gather [hbm4b:s2+s22], $0x80, s22, s22, $0xb8;
	[tilespmem:$0x1BE00] =	vst v63  }
0x55: {  	_ =	swait.ge [sflag:s29], $0x4000  }
0x56: {  	[sflag:s29] =	ssyncset.done $0x0  }
0x57: {  	[sflag:s29] =	ssyncadd.s32 $0xFFFFC000  }
0x58: {  	[spmem:s3] =	stream.indirect.scatter.add.f32 [tilespmem:s24], [sflag:$0x7], $0x80, s19, s22, $0xb8;
	[tilespmem:$0x1BE00] =	vst v63  }
0x59: {  	_ =	swait.ge [sflag:s18], $0x4000  }
0x5a: {  	[sflag:s18] =	ssyncset.done $0x0  }
0x5b: {  	s5 =	sadd.s32 s1, s16;
	[sflag:s18] =	ssyncadd.s32 $0xFFFFC000  }
0x5c: {  	[tilespmem:s4], [sflag:$0x1] =	stream.linear.gather [hbm4b:s5+s4], $0x80, $0x38;
	[tilespmem:$0x1BE00] =	vst v63  }
0x5d: {  	s5 =	sadd.s32 s1, s15  }
0x5e: {  	[tilespmem:s19], [sflag:$0x3] =	stream.linear.gather [hbm4b:s5+s4], $0x80, $0x38;
	[tilespmem:$0x1BE00] =	vst v63  }
0x5f: {  	_ =	swait.ge [sflag:s20], $0x80  }
0x60: {  	[sflag:s20] =	ssyncset.done $0x0  }
0x61: {  	[sflag:s20] =	ssyncadd.s32 $0xFFFFFF80  }
0x62: {  	_ =	swait.ge [sflag:s21], $0x80  }
0x63: {  	[sflag:s21] =	ssyncset.done $0x0  }
0x64: {  	[sflag:s21] =	ssyncadd.s32 $0xFFFFFF80  }
0x65: {  	[tilespmem:s24], [sflag:$0x5] =	stream.indirect.gather [hbm4b:s2+s22], $0x80, s4, s22, $0xb8;
	[tilespmem:$0x1BE00] =	vst v63  }
0x66: {  	_ =	swait.ge [sflag:s30], $0x4000  }
0x67: {  	[sflag:s30] =	ssyncset.done $0x0  }
0x68: {  	[sflag:s30] =	ssyncadd.s32 $0xFFFFC000  }
0x69: {  	[spmem:s3] =	stream.indirect.scatter.add.f32 [tilespmem:s28], [sflag:$0x7], $0x80, s23, s22, $0xb8;
	[tilespmem:$0x1BE00] =	vst v63  }
.Ltmp0:
0x6a: {  	_ =	swait.ge [sflag:s18], $0x4000;
	(pc) =	sbr.rel @p0 .LBB2_2-.Ltmp0, $4  }
0x6b: {  	[sflag:s18] =	ssyncset.done $0x0  }
0x6c: {  	s5 =	sadd.s32 s1, s14;
	[sflag:s18] =	ssyncadd.s32 $0xFFFFC000  }
0x6d: {  	[tilespmem:s22], [sflag:$0x2] =	stream.linear.gather [hbm4b:s5+s4], $0x80, $0x38;
	[tilespmem:$0x1BE00] =	vst v63  }
0x6e: {  	s1 =	sadd.s32 s1, s13  }
0x6f: {  	[tilespmem:s23], [sflag:$0x4] =	stream.linear.gather [hbm4b:s1+s4], $0x80, $0x38;
	[tilespmem:$0x1BE00] =	vst v63  }
0x70: {  	_ =	swait.ge [sflag:s25], $0x80  }
0x71: {  	[sflag:s25] =	ssyncset.done $0x0  }
0x72: {  	[sflag:s25] =	ssyncadd.s32 $0xFFFFFF80  }
0x73: {  	_ =	swait.ge [sflag:s26], $0x80  }
0x74: {  	[sflag:s26] =	ssyncset.done $0x0  }
0x75: {  	[sflag:s26] =	ssyncadd.s32 $0xFFFFFF80  }
0x76: {  	[tilespmem:s28], [sflag:$0x6] =	stream.indirect.gather [hbm4b:s2+s22], $0x80, s22, s22, $0xb8;
	[tilespmem:$0x1BE00] =	vst v63  }
0x77: {  	_ =	swait.ge [sflag:s29], $0x4000  }
0x78: {  	[sflag:s29] =	ssyncset.done $0x0  }
0x79: {  	[sflag:s29] =	ssyncadd.s32 $0xFFFFC000  }
0x7a: {  	[spmem:s3] =	stream.indirect.scatter.add.f32 [tilespmem:s24], [sflag:$0x7], $0x80, s19, s22, $0xb8;
	[tilespmem:$0x1BE00] =	vst v63  }
0x7b: {  	_ =	swait.ge [sflag:s18], $0x4000  }
0x7c: {  	[sflag:s18] =	ssyncset.done $0x0  }
0x7d: {  	[sflag:s18] =	ssyncadd.s32 $0xFFFFC000  }
0x7e: {  	_ =	swait.ge [sflag:s30], $0x4000  }
0x7f: {  	[sflag:s30] =	ssyncset.done $0x0  }
0x80: {  	[sflag:s30] =	ssyncadd.s32 $0xFFFFC000  }
0x81: {  	[spmem:s3] =	stream.indirect.scatter.add.f32 [tilespmem:s28], [sflag:$0x7], $0x80, s23, s22, $0xb8;
	[tilespmem:$0x1BE00] =	vst v63  }
0x82: {  	_ =	swait.ge [sflag:s18], $0x4000  }
0x83: {  	s31 =	sadd.s32 $0x1, s31;
	[sflag:s18] =	ssyncset.done $0x0  }
0x84: {  	p0 =	sne.s32 s31, s12;
	[sflag:s18] =	ssyncadd.s32 $0xFFFFC000  }
.Ltmp1:
0x85: {  	[bflag:$0x0] =	sbarrier.arrive $0xFFFF;
	(pc) =	sbr.rel @p0 .LBB2_1-.Ltmp1, $4  }
0x86: {  	[hbm:s11], [sflag:s6] =	dma.local [spmem:s17], $0x2780  }
0x87: {  	_ =	swait.ge [sflag:s18], $0x2780  }
0x88: {  	[sflag:s18] =	ssyncset.done $0x0  }
0x89: {  	[sflag:s18] =	ssyncadd.s32 $0xFFFFD880  }
0x8a: {  	_ =	sfence.sel $0x180000  }
0x8b: {  	[bflag:$0x0] =	sbarrier.arrive $0xFFFF  }
0x8c: {  	_ =	strace $0x9000004A  }
0x8d: {  	s0 =	stileid.u32;
	[bflag:$0x2] =	sbarrier.arrive $0xFFFF  }
0x8e: {  	p0 =	sne.s32 s0, $0x0;
	s0 =	rddreg [dreg:$0x3]  }
0x8f: {  	s0 =	sadd.s32 @!p0 $0x100000, s0  }
0x90: {  	[sflag:s0] =	ssyncadd.tile.s32 @!p0 $0x1;
	_ =	shalt  }
.Lfunc_end2:
_tile_overlayer_lowered:
.L_overlay_start_2:
0x91: {  	(tag) =	ssettag $0x2  }
0x92: {  	s0 =	rddreg [dreg:$0x0];
	s2 =	stileid.u32  }
0x93: {  	s1 =	rddreg [dreg:$0x1];
	p0 =	sne.s32 s2, $0x0  }
0x94: {  	s3 =	rddreg [dreg:$0x2];
	[bflag:$0x3] =	sbarrier.arrive $0xFFFF;
	s2 =	simm.s32 @!p0 $0x1C07  }
0x95: {  	[timem:s3], [sflag:s2] =	dma.local @!p0 [hbm:s0], s1  }
0x96: {  	s0 =	simm.s32 @!p0 $0x7  }
0x97: {  	_ =	swait.ge @!p0 [sflag:s0], s1  }
0x98: {  	s1 =	ssub.s32 @!p0 $0x0, s1;
	[sflag:s0] =	ssyncset.done @!p0 $0x0  }
0x99: {  	[sflag:s0] =	ssyncadd.s32 @!p0 s1  }
0x9a: {  	[bflag:$0x3] =	sbarrier.arrive $0xFFFF  }
0x9b: {  	_ =	shalt  }

// kernel: kernel.7.cloned.1.call-start
scs
__scs_entry_jumppad:
0x0: {  	(pc) =	sbr.rel $0x88, $3  }
0x1: {  	(tag) =	ssettag $0x0;
	lr =	simm.s32 $0x1  }
0x2: {  	[smem:$0x3F9B] =	sst lr;
	_ =	strace $0xD0000000  }
0x3: {  	_ = 	snop  }
0x4: {  	_ = 	snop  }
0x5: {  	_ = 	snop  }
0x6: {  	_ = 	snop  }
0x7: {  	_ = 	snop  }
__scs_overlays_trampoline_lowered:
0x8: {  	[smem:$0x3FAA] =	sst s0  }
0x9: {  	[smem:$0x3FAB] =	sst s1  }
0xa: {  	[smem:$0x3FAC] =	sst s2  }
0xb: {  	[smem:$0x3FAD] =	sst s3  }
0xc: {  	[smem:$0x3FAE] =	sst s4  }
0xd: {  	[smem:$0x3FAF] =	sst s5  }
0xe: {  	[smem:$0x3FB0] =	sst s6  }
0xf: {  	[smem:$0x3FB1] =	sst s7  }
0x10: {  	[smem:$0x3FB2] =	sst s8  }
0x11: {  	[smem:$0x3FB3] =	sst s9;
	s0 =	simm.s32 @!p0 $0x0  }
0x12: {  	s1 =	sld [smem:$0x3F99];
	s0 =	simm.s32 @p0 $0x1  }
0x13: {  	[smem:$0x3FB4] =	sst s0;
	s0 =	simm.s32 @!p1 $0x0  }
0x14: {  	s2 =	sld [smem:$0x3F98];
	s0 =	simm.s32 @p1 $0x1  }
0x15: {  	[smem:$0x3FB5] =	sst s0;
	s0 =	simm.s32 @!p2 $0x0  }
0x16: {  	s3 =	sld [smem:$0x3FDB];
	s0 =	simm.s32 @p2 $0x1  }
0x17: {  	s4 =	simm.s32 $0x1BF5;
	[smem:$0x3FB7] =	sst s0  }
0x18: {  	s0 =	sld [smem:$0x3F9A];
	_ =	swait.ge [sflag:s4], $0x0  }
0x19: {  	s7 =	sld [smem:$0x3F9B]  }
0x1a: {  	s8 =	sadd.s32 $0xFFFFE003, lr  }
0x1b: {  	s9 =	sadd.s32 $0xFFFFFEF7, lr;
	s5 =	simm.s32 $0xFFFFFFFF;
	p2 =	slt.u32 s8, $0xFFFFF086  }
0x1c: {  	p1 =	slt.u32 s9, $0xF7A;
	s5 =	simm.s32 @!p2 $0x0  }
0x1d: {  	s5 =	simm.s32 @p1 $0x1;
	p0 =	seq.s32 s7, s2  }
0x1e: {  	s7 =	smul.u32 @!p0 $0xF7A, s2;
	p2 =	seq.s32 @!p0 s5, $0x0  }
0x1f: {  	s9 =	smul.u32 $0xF7A, s1;
	s8 =	simm.s32 @!p0 $0x1BF5;
	p2 =	por !p2, p0  }
0x20: {  	[sflag:s8] =	ssyncset.s32 @!p0 $0xFFFFF086;
	s6 =	sadd.s32 @!p0 s3, s7;
	s7 =	simm.s32 @!p0 $0x108  }
0x21: {  	s3 =	sadd.s32 s3, s9;
	s6 =	sadd.s32 @!p0 $0x88, s6;
	s7 =	simm.s32 @p2 $0x1082  }
0x22: {  	[simem:s7], [sflag:s8] =	dma.local @!p0 [hbm:s6], $0xF7A  }
0x23: {  	s9 =	sor.u32 $0xD0000000, s2;
	s6 =	simm.s32 $0x108;
	_ =	swait.ge @!p0 [sflag:s8], $0x0  }
0x24: {  	s3 =	sadd.s32 $0x88, s3;
	s6 =	simm.s32 @!p1 $0x1082;
	[sflag:s4] =	ssyncset.s32 $0xFFFFF086  }
0x25: {  	[simem:s6], [sflag:s4] =	dma.local [hbm:s3], $0xF7A  }
0x26: {  	[smem:$0x3F9B] =	sst s1;
	(tag) =	ssettag s2;
	_ =	strace s9  }
0x27: {  	s1 =	sld [smem:$0x3FAB]  }
0x28: {  	s2 =	sld [smem:$0x3FAC]  }
0x29: {  	s4 =	sld [smem:$0x3FAE]  }
0x2a: {  	p0 =	seq.s32 s5, $0x0;
	s5 =	sld [smem:$0x3FAF]  }
0x2b: {  	s6 =	sld [smem:$0x3FB0]  }
0x2c: {  	s7 =	sld [smem:$0x3FB1]  }
0x2d: {  	s3 =	simm.s32 $0x108;
	s8 =	sld [smem:$0x3FB2]  }
0x2e: {  	s3 =	simm.s32 @!p0 $0x1082;
	s9 =	sld [smem:$0x3FB3]  }
0x2f: {  	lr =	sadd.s32 s0, s3;
	s0 =	sld [smem:$0x3FAA]  }
0x30: {  	s3 =	sld [smem:$0x3FAD]  }
0x31: {  	[smem:$0x3FB6] =	sst s10  }
0x32: {  	s10 =	sld [smem:$0x3FB4];
	_ =	sdelay $0x3  }
0x33: {  	p0 =	seq.s32 s10, $0x1;
	s10 =	sld [smem:$0x3FB6];
	_ =	sdelay $0x3  }
0x34: {  	[smem:$0x3FB6] =	sst s10  }
0x35: {  	s10 =	sld [smem:$0x3FB5];
	_ =	sdelay $0x3  }
0x36: {  	p1 =	seq.s32 s10, $0x1;
	s10 =	sld [smem:$0x3FB6];
	_ =	sdelay $0x3  }
0x37: {  	[smem:$0x3FB6] =	sst s10  }
0x38: {  	s10 =	sld [smem:$0x3FB7]  }
0x39: {  	_ = 	snop;
	(pc) =	sbr.ind lr, $3  }
0x3a: {  	_ = 	snop  }
0x3b: {  	_ = 	snop  }
0x3c: {  	p2 =	seq.s32 s10, $0x1;
	s10 =	sld [smem:$0x3FB6]  }
0x3d: {  	_ =	shalt  }
0x3e: {  	_ =	shalt  }
0x3f: {  	_ =	shalt  }
0x40: {  	_ =	shalt  }
0x41: {  	_ =	shalt  }
0x42: {  	_ =	shalt  }
0x43: {  	_ =	shalt  }
0x44: {  	_ =	shalt  }
0x45: {  	_ =	shalt  }
0x46: {  	_ =	shalt  }
0x47: {  	_ =	shalt  }
0x48: {  	_ =	shalt  }
0x49: {  	_ =	shalt  }
0x4a: {  	_ =	shalt  }
0x4b: {  	_ =	shalt  }
0x4c: {  	_ =	shalt  }
0x4d: {  	_ =	shalt  }
0x4e: {  	_ =	shalt  }
0x4f: {  	_ =	shalt  }
0x50: {  	_ =	shalt  }
0x51: {  	_ =	shalt  }
0x52: {  	_ =	shalt  }
0x53: {  	_ =	shalt  }
0x54: {  	_ =	shalt  }
0x55: {  	_ =	shalt  }
0x56: {  	_ =	shalt  }
0x57: {  	_ =	shalt  }
0x58: {  	_ =	shalt  }
0x59: {  	_ =	shalt  }
0x5a: {  	_ =	shalt  }
0x5b: {  	_ =	shalt  }
0x5c: {  	_ =	shalt  }
0x5d: {  	_ =	shalt  }
0x5e: {  	_ =	shalt  }
0x5f: {  	_ =	shalt  }
0x60: {  	_ =	shalt  }
0x61: {  	_ =	shalt  }
0x62: {  	_ =	shalt  }
0x63: {  	_ =	shalt  }
0x64: {  	_ =	shalt  }
0x65: {  	_ =	shalt  }
0x66: {  	_ =	shalt  }
0x67: {  	_ =	shalt  }
0x68: {  	_ =	shalt  }
0x69: {  	_ =	shalt  }
0x6a: {  	_ =	shalt  }
0x6b: {  	_ =	shalt  }
0x6c: {  	_ =	shalt  }
0x6d: {  	_ =	shalt  }
0x6e: {  	_ =	shalt  }
0x6f: {  	_ =	shalt  }
0x70: {  	_ =	shalt  }
0x71: {  	_ =	shalt  }
0x72: {  	_ =	shalt  }
0x73: {  	_ =	shalt  }
0x74: {  	_ =	shalt  }
0x75: {  	_ =	shalt  }
0x76: {  	_ =	shalt  }
0x77: {  	_ =	shalt  }
0x78: {  	_ =	shalt  }
0x79: {  	_ =	shalt  }
0x7a: {  	_ =	shalt  }
0x7b: {  	_ =	shalt  }
0x7c: {  	_ =	shalt  }
0x7d: {  	_ =	shalt  }
0x7e: {  	_ =	shalt  }
0x7f: {  	_ =	shalt  }
0x80: {  	_ =	shalt  }
0x81: {  	_ =	shalt  }
0x82: {  	_ =	shalt  }
0x83: {  	_ =	shalt  }
0x84: {  	_ =	shalt  }
0x85: {  	_ =	shalt  }
0x86: {  	_ =	shalt  }
0x87: {  	_ =	shalt  }
.Lfunc_end0:
.L_simem_size_0:
called_computation_lowered:
.L_overlay_start_0:
0x88: {  	s2 =	sld [smem:$0x3FD9]  }
0x89: {  	s3 =	sld [smem:$0x3FFE];
	_ =	sdelay $0x1  }
0x8a: {  	s1 =	srdreg.scid  }
0x8b: {  	s0 =	sand.u32 $0x1, s1  }
0x8c: {  	s17 =	sshll.u32 s0, $0xA;
	s2 =	sadd.s32 s3, s2  }
0x8d: {  	s2 =	sadd.s32 s2, s17  }
0x8e: {  	[smem:$0x3FC2] =	sst s2  }
0x8f: {  	_ = 	snop  }
0x90: {  	s2 =	sld [smem:$0x3FD0];
	(tm) =	ssettm $0x1  }
0x91: {  	s18 =	sld [smem:$0x3FFB];
	_ =	sdelay $0x3  }
0x92: {  	_ =	strace s18  }
0x93: {  	s3 =	sld [smem:$0x3FFC];
	_ =	sdelay $0x3  }
0x94: {  	_ =	strace s3  }
0x95: {  	s3 =	sld [smem:$0x3FFD];
	_ =	sdelay $0x3  }
0x96: {  	_ =	strace s3  }
0x97: {  	_ =	strace $0x8FFFFFFF  }
0x98: {  	s19 =	sld [smem:$0x3FDB];
	_ =	sdelay $0x1  }
0x99: {  	s4 =	simm.s32 $_scs_section_size  }
0x9a: {  	s5 =	simm.s32 $_size__tile_overlayer_lowered;
	s6 =	simm.s32 $_tile_overlayer_lowered  }
0x9b: {  	s22 =	simm.s32 $0x1BFF;
	s21 =	sshll.u32 s6, $0x1;
	s3 =	sadd.s32 s4, s19  }
0x9c: {  	s7 =	simm.s32 $0x0;
	s20 =	sshll.u32 s5, $0x1;
	s5 =	sadd.s32 s21, s3  }
0x9d: {  	[timem:s7], [sflag:s22] =	dma.local [hbm:s5], s20  }
0x9e: {  	_ =	swait.ge [sflag:s22], s20  }
0x9f: {  	s4 =	ssub.s32 $0x0, s20;
	[sflag:s22] =	ssyncset.done $0x0  }
0xa0: {  	[sflag:s22] =	ssyncadd.s32 s4;
	_ =	sdelay $0x1  }
0xa1: {  	s23 =	simm.s32 $0x1B8B  }
0xa2: {  	_ =	swait.ge [sflag:s23], $0x1  }
0xa3: {  	[sflag:s23] =	ssyncset.done $0x0  }
0xa4: {  	s25 =	simm.s32 $0x1B8E;
	s24 =	sld [smem:$0x3FFE];
	[sflag:s23] =	ssyncadd.s32 $0xFFFFFFFF  }
0xa5: {  	s26 =	simm.s32 $execute0_lowered;
	[smem:$0x3FD2] =	sst s25  }
0xa6: {  	s5 =	sshll.u32 s26, $0x1;
	_ =	strace $0x80000046;
	[dreg:$0x1] =	wrdreg $0xFFFFFFFF  }
0xa7: {  	s28 =	simm.s32 $_size_execute0_lowered;
	s3 =	sadd.s32 s3, s5;
	[dreg:$0x0] =	wrdreg $0x0  }
0xa8: {  	s5 =	sshll.u32 s28, $0x1;
	[dreg:$0x2] =	wrdreg s3  }
0xa9: {  	[dreg:$0x3] =	wrdreg s5  }
0xaa: {  	[dreg:$0x4] =	wrdreg $0xC0  }
0xab: {  	_ =	task [dreg:s7], $0x5FFFF  }
0xac: {  	[dreg:$0x1] =	wrdreg $0xFFFFFFFF  }
0xad: {  	[dreg:$0x0] =	wrdreg $0x60  }
0xae: {  	[dreg:$0x2] =	wrdreg s24  }
0xaf: {  	[dreg:$0x3] =	wrdreg s2  }
0xb0: {  	[dreg:$0x4] =	wrdreg $0x9  }
0xb1: {  	_ =	task.clear_ibuf [dreg:s7], $0x5FFFF;
	_ =	strace $0x90000046  }
0xb2: {  	s29 =	simm.s32 $0x9;
	_ =	strace $0x80000048  }
0xb3: {  	_ =	swait.ge [sflag:s29], $0x1  }
0xb4: {  	[sflag:s29] =	ssyncadd.s32 $0xFFFFFFFF  }
0xb5: {  	_ =	strace $0x90000048  }
0xb6: {  	_ =	sfence  }
0xb7: {  	s30 =	sld [smem:$0x0];
	_ =	sdelay $0x2  }
0xb8: {  	s31 =	sshll.u32 s1, $0xD;
	s1 =	sshrl.u32 s1, $0x2  }
0xb9: {  	s3 =	sand.u32 $0x4000, s31;
	s1 =	sadd.s32 s1, s30  }
0xba: {  	s0 =	sor.u32 s3, s0;
	s1 =	sshll.u32 s1, $0x11  }
0xbb: {  	s0 =	sor.u32 s1, s0  }
0xbc: {  	s0 =	sadd.s32 $0x8F2B, s0  }
0xbd: {  	[sflag:s0] =	ssyncadd.remote.s32 $0x1  }
0xbe: {  	_ =	sfence.sel $0xFFFF  }
0xbf: {  	[dreg:$0x0] =	wrdreg $0xFFFFFFFF;
	(pc) =	sbr.abs _section_cstart, $3  }
0xc0: {  	[dreg:$0x1] =	wrdreg $0xFFFFFFFF  }
0xc1: {  	_ =	task.clear_ibuf [dreg:s7], $0x2FFFF;
	_ =	strace $0x9FFFFFFF  }
0xc2: {  	(tm) =	ssettm $0x7FFFFFFF  }
0xc3: {  	_ =	shalt  }
tec
execute0_lowered:
.L_overlay_start_1:
0x0: {  	(tag) =	ssettag $0x1  }
0x1: {  	s3 =	rddreg [dreg:$0x0];
	s1 =	srdreg.scid  }
0x2: {  	s0 =	stileid.u32;
	s4 =	rddreg [dreg:$0x1];
	s9 =	simm.s32 $0x2800  }
0x3: {  	s5 =	sand.u32 $0x1, s1;
	s2 =	sshll.u32 s0, $0x1;
	s8 =	sshrl.u32 s0, $0x2  }
0x4: {  	s1 =	rddreg [dreg:$0x2];
	s6 =	sor.u32 s5, s2;
	s8 =	smul.u32 $0x13C00, s8  }
0x5: {  	s2 =	simm.s32 $0x0;
	s5 =	ssub.s32 $0x2, s5;
	s7 =	smul.u32 $0x500, s6  }
0x6: {  	[smem:$0x7FF] =	sst s2;
	s6 =	sshll.u32 s6, $0x7;
	s31 =	sshrl.u32 s5, $0x1  }
0x7: {  	_ =	strace $0x80000047;
	s6 =	sand.u32 $0x380, s6;
	s5 =	ssub.s32 s5, s31  }
0x8: {  	s3 =	sadd.s32 s7, s3;
	s6 =	sor.u32 s8, s6;
	s5 =	smax.u32 s5, $0x1  }
0x9: {  	v0 =	vimm.f32 $0.0e+00;
	vm0 =	vcmask $0x300;
	s7 =	simm.s32 $0x80;
	s8 =	simm.s32 $0x400;
	s6 =	sshrl.u32 s6, $0x3  }
0xa: {  	v1 =	vsel vm0, $0x3F800000, v0;
	s3 =	sadd.s32 $0x1600, s3;
	s4 =	sadd.s32 s4, s6;
	s6 =	simm.s32 $0x1  }
.LBB2_1:
0xb: {  	s10 =	simm.s32 $0x40;
	s11 =	simm.s32 $0x0  }
.LBB2_2:
0xc: {  	p0 =	sne.s32 s10, $0x9E00;
	[tilespmem:s11+$0x2800] =	vst v0;
	s12 =	smov.u32 s10;
	s10 =	sadd.s32 $0x40, s10  }
.Ltmp0:
0xd: {  	[tilespmem:s11+$0x5000] =	vst v0;
	(pc) =	sbr.rel @p0 .LBB2_2-.Ltmp0, $2  }
0xe: {  	_ =	sdelay $0x2  }
0xf: {  	s11 =	sshra.s32 s12, $0x2  }
0x10: {  	[tilespmem:s11+$0x2800] =	vst v0  }
0x11: {  	[tilespmem:s11+$0x5000] =	vst v0;
	s10 =	simm.s32 $0x0  }
0x12: {  	[tilespmem:s10], [sflag:$0x1] =	stream.linear.gather [hbm4b:s3+s10], $0x2800, $0x38;
	[tilespmem:$0x7800] =	vst v63  }
0x13: {  	_ =	swait.ge [sflag:s6], $0x2800  }
0x14: {  	[sflag:s6] =	ssyncset.done $0x0  }
0x15: {  	[sflag:s6] =	ssyncadd.s32 $0xFFFFD800  }
0x16: {  	v2 =	vld [tilespmem:s10+$0x0];
	_ =	sdelay $0x4  }
0x17: {  	v3 =	vadd.s32 $0x2800, v2  }
0x18: {  	(v2sf) =	vpush v3, $0x0  }
0x19: {  	s18 =	sand.u32 $0x1FF0, s10  }
0x1a: {  	v2 =	vld [tilespmem:s18+$0x1400];
	_ =	sdelay $0x4  }
0x1b: {  	v2 =	vadd.s32 $0x5000, v2  }
0x1c: {  	(v2sf) =	vpush v2, $0x0;
	_ =	sdelay $0x6  }
0x1d: {  	s19 =	spop (v2sf)  }
0x1e: {  	(v2sf) =	vpush v3, $0x1;
	v4 =	vld [tilespmem:s19+$0x0];
	_ =	sdelay $0x4  }
0x1f: {  	v4 =	vadd.f32 v1, v4;
	_ =	sdelay $0x1  }
0x20: {  	s20 =	spop (v2sf);
	[tilespmem:s19+$0x0] =	vst v4  }
0x21: {  	(v2sf) =	vpush v2, $0x1;
	v4 =	vld [tilespmem:s20+$0x0];
	_ =	sdelay $0x4  }
0x22: {  	v4 =	vadd.f32 v1, v4;
	_ =	sdelay $0x1  }
0x23: {  	s21 =	spop (v2sf);
	[tilespmem:s20+$0x0] =	vst v4  }
0x24: {  	(v2sf) =	vpush v3, $0x2;
	v4 =	vld [tilespmem:s21+$0x0];
	_ =	sdelay $0x4  }
0x25: {  	v4 =	vadd.f32 v1, v4;
	_ =	sdelay $0x1  }
0x26: {  	s22 =	spop (v2sf);
	[tilespmem:s21+$0x0] =	vst v4  }
0x27: {  	(v2sf) =	vpush v2, $0x2;
	v4 =	vld [tilespmem:s22+$0x0];
	_ =	sdelay $0x4  }
0x28: {  	v4 =	vadd.f32 v1, v4;
	_ =	sdelay $0x1  }
0x29: {  	s23 =	spop (v2sf);
	[tilespmem:s22+$0x0] =	vst v4  }
0x2a: {  	(v2sf) =	vpush v3, $0x3;
	v4 =	vld [tilespmem:s23+$0x0];
	_ =	sdelay $0x4  }
0x2b: {  	v4 =	vadd.f32 v1, v4;
	_ =	sdelay $0x1  }
0x2c: {  	s24 =	spop (v2sf);
	[tilespmem:s23+$0x0] =	vst v4  }
0x2d: {  	(v2sf) =	vpush v2, $0x3;
	v4 =	vld [tilespmem:s24+$0x0];
	_ =	sdelay $0x4  }
0x2e: {  	v4 =	vadd.f32 v1, v4;
	_ =	sdelay $0x1  }
0x2f: {  	s25 =	spop (v2sf);
	[tilespmem:s24+$0x0] =	vst v4  }
0x30: {  	(v2sf) =	vpush v3, $0x4;
	v4 =	vld [tilespmem:s25+$0x0];
	_ =	sdelay $0x4  }
0x31: {  	v4 =	vadd.f32 v1, v4;
	_ =	sdelay $0x1  }
0x32: {  	s26 =	spop (v2sf);
	[tilespmem:s25+$0x0] =	vst v4  }
0x33: {  	(v2sf) =	vpush v2, $0x4;
	v4 =	vld [tilespmem:s26+$0x0];
	_ =	sdelay $0x4  }
0x34: {  	v4 =	vadd.f32 v1, v4;
	_ =	sdelay $0x1  }
0x35: {  	s28 =	spop (v2sf);
	[tilespmem:s26+$0x0] =	vst v4  }
0x36: {  	(v2sf) =	vpush v3, $0x5;
	v4 =	vld [tilespmem:s28+$0x0];
	_ =	sdelay $0x4  }
0x37: {  	v4 =	vadd.f32 v1, v4;
	_ =	sdelay $0x1  }
0x38: {  	s29 =	spop (v2sf);
	[tilespmem:s28+$0x0] =	vst v4  }
0x39: {  	(v2sf) =	vpush v2, $0x5;
	v4 =	vld [tilespmem:s29+$0x0];
	_ =	sdelay $0x4  }
0x3a: {  	v4 =	vadd.f32 v1, v4;
	_ =	sdelay $0x1  }
0x3b: {  	s30 =	spop (v2sf);
	[tilespmem:s29+$0x0] =	vst v4  }
0x3c: {  	(v2sf) =	vpush v3, $0x6;
	v4 =	vld [tilespmem:s30+$0x0];
	_ =	sdelay $0x4  }
0x3d: {  	v4 =	vadd.f32 v1, v4;
	_ =	sdelay $0x1  }
0x3e: {  	s31 =	spop (v2sf);
	[tilespmem:s30+$0x0] =	vst v4  }
0x3f: {  	(v2sf) =	vpush v2, $0x6;
	v4 =	vld [tilespmem:s31+$0x0];
	_ =	sdelay $0x4  }
0x40: {  	v4 =	vadd.f32 v1, v4;
	_ =	sdelay $0x1  }
0x41: {  	s12 =	spop (v2sf);
	[tilespmem:s31+$0x0] =	vst v4  }
0x42: {  	(v2sf) =	vpush v3, $0x7;
	v4 =	vld [tilespmem:s12+$0x0];
	_ =	sdelay $0x4  }
0x43: {  	v4 =	vadd.f32 v1, v4;
	_ =	sdelay $0x1  }
0x44: {  	s13 =	spop (v2sf);
	[tilespmem:s12+$0x0] =	vst v4  }
0x45: {  	(v2sf) =	vpush v2, $0x7;
	v4 =	vld [tilespmem:s13+$0x0];
	_ =	sdelay $0x4  }
0x46: {  	v4 =	vadd.f32 v1, v4;
	_ =	sdelay $0x1  }
0x47: {  	s14 =	spop (v2sf);
	[tilespmem:s13+$0x0] =	vst v4  }
0x48: {  	(v2sf) =	vpush v3, $0x8;
	v4 =	vld [tilespmem:s14+$0x0];
	_ =	sdelay $0x4  }
0x49: {  	v4 =	vadd.f32 v1, v4;
	_ =	sdelay $0x1  }
0x4a: {  	s15 =	spop (v2sf);
	[tilespmem:s14+$0x0] =	vst v4  }
0x4b: {  	(v2sf) =	vpush v2, $0x8;
	v4 =	vld [tilespmem:s15+$0x0];
	_ =	sdelay $0x4  }
0x4c: {  	v4 =	vadd.f32 v1, v4;
	_ =	sdelay $0x1  }
0x4d: {  	s16 =	spop (v2sf);
	[tilespmem:s15+$0x0] =	vst v4  }
0x4e: {  	(v2sf) =	vpush v3, $0x9;
	v4 =	vld [tilespmem:s16+$0x0];
	_ =	sdelay $0x4  }
0x4f: {  	v4 =	vadd.f32 v1, v4;
	_ =	sdelay $0x1  }
0x50: {  	s17 =	spop (v2sf);
	[tilespmem:s16+$0x0] =	vst v4  }
0x51: {  	(v2sf) =	vpush v2, $0x9;
	v4 =	vld [tilespmem:s17+$0x0];
	_ =	sdelay $0x4  }
0x52: {  	v4 =	vadd.f32 v1, v4;
	_ =	sdelay $0x1  }
0x53: {  	s18 =	spop (v2sf);
	[tilespmem:s17+$0x0] =	vst v4  }
0x54: {  	(v2sf) =	vpush v3, $0xA;
	v4 =	vld [tilespmem:s18+$0x0];
	_ =	sdelay $0x4  }
0x55: {  	v4 =	vadd.f32 v1, v4;
	_ =	sdelay $0x1  }
0x56: {  	s19 =	spop (v2sf);
	[tilespmem:s18+$0x0] =	vst v4  }
0x57: {  	(v2sf) =	vpush v2, $0xA;
	v4 =	vld [tilespmem:s19+$0x0];
	_ =	sdelay $0x4  }
0x58: {  	v4 =	vadd.f32 v1, v4;
	_ =	sdelay $0x1  }
0x59: {  	s20 =	spop (v2sf);
	[tilespmem:s19+$0x0] =	vst v4  }
0x5a: {  	(v2sf) =	vpush v3, $0xB;
	v4 =	vld [tilespmem:s20+$0x0];
	_ =	sdelay $0x4  }
0x5b: {  	v4 =	vadd.f32 v1, v4;
	_ =	sdelay $0x1  }
0x5c: {  	s21 =	spop (v2sf);
	[tilespmem:s20+$0x0] =	vst v4  }
0x5d: {  	(v2sf) =	vpush v2, $0xB;
	v4 =	vld [tilespmem:s21+$0x0];
	_ =	sdelay $0x4  }
0x5e: {  	v4 =	vadd.f32 v1, v4;
	_ =	sdelay $0x1  }
0x5f: {  	s22 =	spop (v2sf);
	[tilespmem:s21+$0x0] =	vst v4  }
0x60: {  	(v2sf) =	vpush v3, $0xC;
	v4 =	vld [tilespmem:s22+$0x0];
	_ =	sdelay $0x4  }
0x61: {  	v4 =	vadd.f32 v1, v4;
	_ =	sdelay $0x1  }
0x62: {  	s23 =	spop (v2sf);
	[tilespmem:s22+$0x0] =	vst v4  }
0x63: {  	(v2sf) =	vpush v2, $0xC;
	v4 =	vld [tilespmem:s23+$0x0];
	_ =	sdelay $0x4  }
0x64: {  	v4 =	vadd.f32 v1, v4;
	_ =	sdelay $0x1  }
0x65: {  	s24 =	spop (v2sf);
	[tilespmem:s23+$0x0] =	vst v4  }
0x66: {  	(v2sf) =	vpush v3, $0xD;
	v4 =	vld [tilespmem:s24+$0x0];
	_ =	sdelay $0x4  }
0x67: {  	v4 =	vadd.f32 v1, v4;
	_ =	sdelay $0x1  }
0x68: {  	s25 =	spop (v2sf);
	[tilespmem:s24+$0x0] =	vst v4  }
0x69: {  	(v2sf) =	vpush v2, $0xD;
	v4 =	vld [tilespmem:s25+$0x0];
	_ =	sdelay $0x4  }
0x6a: {  	v4 =	vadd.f32 v1, v4;
	_ =	sdelay $0x1  }
0x6b: {  	s26 =	spop (v2sf);
	[tilespmem:s25+$0x0] =	vst v4  }
0x6c: {  	(v2sf) =	vpush v3, $0xE;
	v4 =	vld [tilespmem:s26+$0x0];
	_ =	sdelay $0x4  }
0x6d: {  	v4 =	vadd.f32 v1, v4;
	_ =	sdelay $0x1  }
0x6e: {  	s28 =	spop (v2sf);
	[tilespmem:s26+$0x0] =	vst v4  }
0x6f: {  	(v2sf) =	vpush v2, $0xE;
	v4 =	vld [tilespmem:s28+$0x0];
	_ =	sdelay $0x4  }
0x70: {  	v4 =	vadd.f32 v1, v4;
	_ =	sdelay $0x1  }
0x71: {  	s29 =	spop (v2sf);
	[tilespmem:s28+$0x0] =	vst v4  }
0x72: {  	(v2sf) =	vpush v3, $0xF;
	v4 =	vld [tilespmem:s29+$0x0];
	_ =	sdelay $0x4  }
0x73: {  	v3 =	vadd.f32 v1, v4;
	_ =	sdelay $0x1  }
0x74: {  	s30 =	spop (v2sf);
	[tilespmem:s29+$0x0] =	vst v3  }
0x75: {  	(v2sf) =	vpush v2, $0xF;
	v3 =	vld [tilespmem:s30+$0x0];
	_ =	sdelay $0x4  }
0x76: {  	v2 =	vadd.f32 v1, v3;
	_ =	sdelay $0x1  }
0x77: {  	s31 =	spop (v2sf);
	[tilespmem:s30+$0x0] =	vst v2  }
0x78: {  	v2 =	vld [tilespmem:s31+$0x0];
	_ =	sdelay $0x4  }
0x79: {  	v2 =	vadd.f32 v1, v2;
	_ =	sdelay $0x1  }
0x7a: {  	s12 =	spop (v2sf);
	[tilespmem:s31+$0x0] =	vst v2  }
0x7b: {  	v2 =	vld [tilespmem:s12+$0x0];
	_ =	sdelay $0x4  }
0x7c: {  	s11 =	simm.s32 $0x10;
	v2 =	vadd.f32 v1, v2  }
.LBB2_4:
0x7d: {  	p0 =	sne.s32 s11, $0x13F0  }
0x7e: {  	s10 =	sadd.s32 $0x10, s10;
	[tilespmem:s12+$0x0] =	vst v2;
	s12 =	smov.u32 s11;
	s11 =	sadd.s32 $0x10, s11  }
0x7f: {  	v2 =	vld [tilespmem:s10+$0x0];
	_ =	sdelay $0x4  }
0x80: {  	v3 =	vadd.s32 $0x2800, v2  }
0x81: {  	(v2sf) =	vpush v3, $0x0  }
0x82: {  	s12 =	sand.u32 $0x1FF0, s12  }
0x83: {  	v2 =	vld [tilespmem:s12+$0x1400];
	_ =	sdelay $0x4  }
0x84: {  	v2 =	vadd.s32 $0x5000, v2  }
0x85: {  	(v2sf) =	vpush v2, $0x0;
	_ =	sdelay $0x6  }
0x86: {  	s12 =	spop (v2sf)  }
0x87: {  	v4 =	vld [tilespmem:s12+$0x0];
	(v2sf) =	vpush v3, $0x1;
	_ =	sdelay $0x4  }
0x88: {  	v4 =	vadd.f32 v1, v4;
	_ =	sdelay $0x1  }
0x89: {  	[tilespmem:s12+$0x0] =	vst v4;
	s12 =	spop (v2sf)  }
0x8a: {  	v4 =	vld [tilespmem:s12+$0x0];
	(v2sf) =	vpush v2, $0x1;
	_ =	sdelay $0x4  }
0x8b: {  	v4 =	vadd.f32 v1, v4;
	_ =	sdelay $0x1  }
0x8c: {  	[tilespmem:s12+$0x0] =	vst v4;
	s12 =	spop (v2sf)  }
0x8d: {  	v4 =	vld [tilespmem:s12+$0x0];
	(v2sf) =	vpush v3, $0x2;
	_ =	sdelay $0x4  }
0x8e: {  	v4 =	vadd.f32 v1, v4;
	_ =	sdelay $0x1  }
0x8f: {  	[tilespmem:s12+$0x0] =	vst v4;
	s12 =	spop (v2sf)  }
0x90: {  	v4 =	vld [tilespmem:s12+$0x0];
	(v2sf) =	vpush v2, $0x2;
	_ =	sdelay $0x4  }
0x91: {  	v4 =	vadd.f32 v1, v4;
	_ =	sdelay $0x1  }
0x92: {  	[tilespmem:s12+$0x0] =	vst v4;
	s12 =	spop (v2sf)  }
0x93: {  	v4 =	vld [tilespmem:s12+$0x0];
	(v2sf) =	vpush v3, $0x3;
	_ =	sdelay $0x4  }
0x94: {  	v4 =	vadd.f32 v1, v4;
	_ =	sdelay $0x1  }
0x95: {  	[tilespmem:s12+$0x0] =	vst v4;
	s12 =	spop (v2sf)  }
0x96: {  	v4 =	vld [tilespmem:s12+$0x0];
	(v2sf) =	vpush v2, $0x3;
	_ =	sdelay $0x4  }
0x97: {  	v4 =	vadd.f32 v1, v4;
	_ =	sdelay $0x1  }
0x98: {  	[tilespmem:s12+$0x0] =	vst v4;
	s12 =	spop (v2sf)  }
0x99: {  	v4 =	vld [tilespmem:s12+$0x0];
	(v2sf) =	vpush v3, $0x4;
	_ =	sdelay $0x4  }
0x9a: {  	v4 =	vadd.f32 v1, v4;
	_ =	sdelay $0x1  }
0x9b: {  	[tilespmem:s12+$0x0] =	vst v4;
	s12 =	spop (v2sf)  }
0x9c: {  	v4 =	vld [tilespmem:s12+$0x0];
	(v2sf) =	vpush v2, $0x4;
	_ =	sdelay $0x4  }
0x9d: {  	v4 =	vadd.f32 v1, v4;
	_ =	sdelay $0x1  }
0x9e: {  	[tilespmem:s12+$0x0] =	vst v4;
	s12 =	spop (v2sf)  }
0x9f: {  	v4 =	vld [tilespmem:s12+$0x0];
	(v2sf) =	vpush v3, $0x5;
	_ =	sdelay $0x4  }
0xa0: {  	v4 =	vadd.f32 v1, v4;
	_ =	sdelay $0x1  }
0xa1: {  	[tilespmem:s12+$0x0] =	vst v4;
	s12 =	spop (v2sf)  }
0xa2: {  	v4 =	vld [tilespmem:s12+$0x0];
	(v2sf) =	vpush v2, $0x5;
	_ =	sdelay $0x4  }
0xa3: {  	v4 =	vadd.f32 v1, v4;
	_ =	sdelay $0x1  }
0xa4: {  	[tilespmem:s12+$0x0] =	vst v4;
	s12 =	spop (v2sf)  }
0xa5: {  	v4 =	vld [tilespmem:s12+$0x0];
	(v2sf) =	vpush v3, $0x6;
	_ =	sdelay $0x4  }
0xa6: {  	v4 =	vadd.f32 v1, v4;
	_ =	sdelay $0x1  }
0xa7: {  	[tilespmem:s12+$0x0] =	vst v4;
	s12 =	spop (v2sf)  }
0xa8: {  	v4 =	vld [tilespmem:s12+$0x0];
	(v2sf) =	vpush v2, $0x6;
	_ =	sdelay $0x4  }
0xa9: {  	v4 =	vadd.f32 v1, v4;
	_ =	sdelay $0x1  }
0xaa: {  	[tilespmem:s12+$0x0] =	vst v4;
	s12 =	spop (v2sf)  }
0xab: {  	v4 =	vld [tilespmem:s12+$0x0];
	(v2sf) =	vpush v3, $0x7;
	_ =	sdelay $0x4  }
0xac: {  	v4 =	vadd.f32 v1, v4;
	_ =	sdelay $0x1  }
0xad: {  	[tilespmem:s12+$0x0] =	vst v4;
	s12 =	spop (v2sf)  }
0xae: {  	v4 =	vld [tilespmem:s12+$0x0];
	(v2sf) =	vpush v2, $0x7;
	_ =	sdelay $0x4  }
0xaf: {  	v4 =	vadd.f32 v1, v4;
	_ =	sdelay $0x1  }
0xb0: {  	[tilespmem:s12+$0x0] =	vst v4;
	s12 =	spop (v2sf)  }
0xb1: {  	v4 =	vld [tilespmem:s12+$0x0];
	(v2sf) =	vpush v3, $0x8;
	_ =	sdelay $0x4  }
0xb2: {  	v4 =	vadd.f32 v1, v4;
	_ =	sdelay $0x1  }
0xb3: {  	[tilespmem:s12+$0x0] =	vst v4;
	s12 =	spop (v2sf)  }
0xb4: {  	v4 =	vld [tilespmem:s12+$0x0];
	(v2sf) =	vpush v2, $0x8;
	_ =	sdelay $0x4  }
0xb5: {  	v4 =	vadd.f32 v1, v4;
	_ =	sdelay $0x1  }
0xb6: {  	[tilespmem:s12+$0x0] =	vst v4;
	s12 =	spop (v2sf)  }
0xb7: {  	v4 =	vld [tilespmem:s12+$0x0];
	(v2sf) =	vpush v3, $0x9;
	_ =	sdelay $0x4  }
0xb8: {  	v4 =	vadd.f32 v1, v4;
	_ =	sdelay $0x1  }
0xb9: {  	[tilespmem:s12+$0x0] =	vst v4;
	s12 =	spop (v2sf)  }
0xba: {  	v4 =	vld [tilespmem:s12+$0x0];
	(v2sf) =	vpush v2, $0x9;
	_ =	sdelay $0x4  }
0xbb: {  	v4 =	vadd.f32 v1, v4;
	_ =	sdelay $0x1  }
0xbc: {  	[tilespmem:s12+$0x0] =	vst v4;
	s12 =	spop (v2sf)  }
0xbd: {  	v4 =	vld [tilespmem:s12+$0x0];
	(v2sf) =	vpush v3, $0xA;
	_ =	sdelay $0x4  }
0xbe: {  	v4 =	vadd.f32 v1, v4;
	_ =	sdelay $0x1  }
0xbf: {  	[tilespmem:s12+$0x0] =	vst v4;
	s12 =	spop (v2sf)  }
0xc0: {  	v4 =	vld [tilespmem:s12+$0x0];
	(v2sf) =	vpush v2, $0xA;
	_ =	sdelay $0x4  }
0xc1: {  	v4 =	vadd.f32 v1, v4;
	_ =	sdelay $0x1  }
0xc2: {  	[tilespmem:s12+$0x0] =	vst v4;
	s12 =	spop (v2sf)  }
0xc3: {  	v4 =	vld [tilespmem:s12+$0x0];
	(v2sf) =	vpush v3, $0xB;
	_ =	sdelay $0x4  }
0xc4: {  	v4 =	vadd.f32 v1, v4;
	_ =	sdelay $0x1  }
0xc5: {  	[tilespmem:s12+$0x0] =	vst v4;
	s12 =	spop (v2sf)  }
0xc6: {  	v4 =	vld [tilespmem:s12+$0x0];
	(v2sf) =	vpush v2, $0xB;
	_ =	sdelay $0x4  }
0xc7: {  	v4 =	vadd.f32 v1, v4;
	_ =	sdelay $0x1  }
0xc8: {  	[tilespmem:s12+$0x0] =	vst v4;
	s12 =	spop (v2sf)  }
0xc9: {  	v4 =	vld [tilespmem:s12+$0x0];
	(v2sf) =	vpush v3, $0xC;
	_ =	sdelay $0x4  }
0xca: {  	v4 =	vadd.f32 v1, v4;
	_ =	sdelay $0x1  }
0xcb: {  	[tilespmem:s12+$0x0] =	vst v4;
	s12 =	spop (v2sf)  }
0xcc: {  	v4 =	vld [tilespmem:s12+$0x0];
	(v2sf) =	vpush v2, $0xC;
	_ =	sdelay $0x4  }
0xcd: {  	v4 =	vadd.f32 v1, v4;
	_ =	sdelay $0x1  }
0xce: {  	[tilespmem:s12+$0x0] =	vst v4;
	s12 =	spop (v2sf)  }
0xcf: {  	v4 =	vld [tilespmem:s12+$0x0];
	(v2sf) =	vpush v3, $0xD;
	_ =	sdelay $0x4  }
0xd0: {  	v4 =	vadd.f32 v1, v4;
	_ =	sdelay $0x1  }
0xd1: {  	[tilespmem:s12+$0x0] =	vst v4;
	s12 =	spop (v2sf)  }
0xd2: {  	v4 =	vld [tilespmem:s12+$0x0];
	(v2sf) =	vpush v2, $0xD;
	_ =	sdelay $0x4  }
0xd3: {  	v4 =	vadd.f32 v1, v4;
	_ =	sdelay $0x1  }
0xd4: {  	[tilespmem:s12+$0x0] =	vst v4;
	s12 =	spop (v2sf)  }
0xd5: {  	v4 =	vld [tilespmem:s12+$0x0];
	(v2sf) =	vpush v3, $0xE;
	_ =	sdelay $0x4  }
0xd6: {  	v4 =	vadd.f32 v1, v4;
	_ =	sdelay $0x1  }
0xd7: {  	[tilespmem:s12+$0x0] =	vst v4;
	s12 =	spop (v2sf)  }
0xd8: {  	v4 =	vld [tilespmem:s12+$0x0];
	(v2sf) =	vpush v2, $0xE;
	_ =	sdelay $0x4  }
0xd9: {  	v4 =	vadd.f32 v1, v4;
	_ =	sdelay $0x1  }
0xda: {  	[tilespmem:s12+$0x0] =	vst v4;
	s12 =	spop (v2sf)  }
0xdb: {  	v4 =	vld [tilespmem:s12+$0x0];
	(v2sf) =	vpush v3, $0xF;
	_ =	sdelay $0x4  }
0xdc: {  	v3 =	vadd.f32 v1, v4;
	_ =	sdelay $0x1  }
0xdd: {  	[tilespmem:s12+$0x0] =	vst v3;
	s12 =	spop (v2sf)  }
0xde: {  	v3 =	vld [tilespmem:s12+$0x0];
	(v2sf) =	vpush v2, $0xF;
	_ =	sdelay $0x4  }
0xdf: {  	v2 =	vadd.f32 v1, v3;
	_ =	sdelay $0x1  }
0xe0: {  	[tilespmem:s12+$0x0] =	vst v2;
	s12 =	spop (v2sf)  }
0xe1: {  	v2 =	vld [tilespmem:s12+$0x0];
	_ =	sdelay $0x4  }
0xe2: {  	v2 =	vadd.f32 v1, v2;
	_ =	sdelay $0x1  }
0xe3: {  	[tilespmem:s12+$0x0] =	vst v2;
	s12 =	spop (v2sf)  }
0xe4: {  	v2 =	vld [tilespmem:s12+$0x0]  }
.Ltmp1:
0xe5: {  	(pc) =	sbr.rel @p0 .LBB2_4-.Ltmp1, $2  }
0xe6: {  	_ =	sdelay $0x2  }
0xe7: {  	v2 =	vadd.f32 v1, v2  }
0xe8: {  	_ = 	snop  }
0xe9: {  	s10 =	simm.s32 $0x0;
	[tilespmem:s12+$0x0] =	vst v2  }
0xea: {  	s11 =	simm.s32 $0x40;
	v2 =	vld [tilespmem:s10+$0x5000]  }
.LBB2_6:
0xeb: {  	p0 =	sne.s32 s11, $0x9DC0;
	v3 =	vld [tilespmem:s10+$0x2800];
	_ =	sdelay $0x2  }
.Ltmp2:
0xec: {  	(pc) =	sbr.rel @p0 .LBB2_6-.Ltmp2, $4  }
0xed: {  	_ = 	snop  }
0xee: {  	v3 =	vadd.f32 v2, v3  }
0xef: {  	s12 =	sshra.s32 s11, $0x2  }
0xf0: {  	s11 =	sadd.s32 $0x40, s11;
	v2 =	vld [tilespmem:s12+$0x5000];
	[tilespmem:s10+$0x2800] =	vst v3;
	s10 =	smov.u32 s12  }
0xf1: {  	v3 =	vld [tilespmem:s10+$0x2800];
	_ =	sdelay $0x4  }
0xf2: {  	s2 =	sadd.s32 $0x1, s2;
	v2 =	vadd.f32 v2, v3  }
0xf3: {  	p0 =	sne.s32 s2, s5  }
.Ltmp3:
0xf4: {  	[tilespmem:s10+$0x2800] =	vst v2;
	(pc) =	sbr.rel @p0 .LBB2_1-.Ltmp3, $4  }
0xf5: {  	[hbm4b:s4+s7] =	stream.strided.scatter [tilespmem:s9], [sflag:$0x1], $0x2780, s8, s7, $0x38;
	[tilespmem:$0x7800] =	vst v63  }
0xf6: {  	_ =	swait.ge [sflag:s6], $0x2780  }
0xf7: {  	[sflag:s6] =	ssyncset.done $0x0  }
0xf8: {  	[sflag:s6] =	ssyncadd.s32 $0xFFFFD880  }
0xf9: {  	_ =	sfence.sel $0x180000  }
0xfa: {  	[bflag:$0x0] =	sbarrier.arrive $0xFFFF  }
0xfb: {  	p0 =	sne.s32 s0, $0x0;
	_ =	strace $0x90000047  }
0xfc: {  	s0 =	sadd.s32 @!p0 $0x100000, s1;
	[bflag:$0x2] =	sbarrier.arrive $0xFFFF  }
0xfd: {  	[sflag:s0] =	ssyncadd.tile.s32 @!p0 $0x1;
	_ =	shalt  }
.Lfunc_end2:
_tile_overlayer_lowered:
.L_overlay_start_2:
0xfe: {  	(tag) =	ssettag $0x2  }
0xff: {  	s0 =	rddreg [dreg:$0x0];
	s2 =	stileid.u32  }
0x100: {  	s1 =	rddreg [dreg:$0x1];
	p0 =	sne.s32 s2, $0x0  }
0x101: {  	s3 =	rddreg [dreg:$0x2];
	[bflag:$0x3] =	sbarrier.arrive $0xFFFF;
	s2 =	simm.s32 @!p0 $0x1C01  }
0x102: {  	[timem:s3], [sflag:s2] =	dma.local @!p0 [hbm:s0], s1  }
0x103: {  	s0 =	simm.s32 @!p0 $0x1  }
0x104: {  	_ =	swait.ge @!p0 [sflag:s0], s1  }
0x105: {  	s1 =	ssub.s32 @!p0 $0x0, s1;
	[sflag:s0] =	ssyncset.done @!p0 $0x0  }
0x106: {  	[sflag:s0] =	ssyncadd.s32 @!p0 s1  }
0x107: {  	[bflag:$0x3] =	sbarrier.arrive $0xFFFF  }
0x108: {  	_ =	shalt  }

</sc_bundles>
